<compile_context>
chip_gen: v7x
topology: tpu7x:2x2x1
jax: 0.10.2.dev20260603
libtpu: 0.0.44.dev20260713+nightly
codegen_flags: <defaults>
</compile_context>

<pallas_src>
import functools

import jax
import jax.numpy as jnp
from jax import lax
from jax.experimental import pallas as pl
from jax.experimental.pallas import tpu as pltpu
from jax.experimental.pallas import tpu_sc as plsc

_ND = 20000
_NDP = 20480
_DPW = _NDP // 16
_DVR = _DPW // 16
_NO = 1000
_NOP = 1024
_OPW = _NOP // 32
_DET_PAD_LBL = 21
_OBJ_PAD_LBL = 31


def _k1_body(dl_hbm, order_out, cnt_out,
             lbl_v, ord_v, cnt_v, off_v, sem):
    wid = lax.axis_index("s")
    base = wid * _DPW
    pltpu.sync_copy(dl_hbm.at[pl.ds(base, _DPW)], lbl_v)

    iota = jnp.arange(16, dtype=jnp.int32)
    zero16 = jnp.zeros((16,), jnp.int32)

    cnt_v[pl.ds(0, 16)] = zero16
    cnt_v[pl.ds(16, 16)] = zero16

    def hist_body(v, _):
        lv = lbl_v[pl.ds(v * 16, 16)]
        rank, lastm = plsc.scan_count(lv)
        cur = plsc.load_gather(cnt_v, [lv])
        plsc.store_scatter(cnt_v, [lv], cur + rank, mask=lastm)
        return 0

    lax.fori_loop(0, _DVR, hist_body, 0)

    row0 = cnt_v[pl.ds(0, 16)]
    row1 = cnt_v[pl.ds(16, 16)]
    ex0 = plsc.cumsum(row0) - row0
    ex1 = plsc.cumsum(row1) - row1 + jnp.sum(row0)
    off_v[pl.ds(0, 16)] = ex0
    off_v[pl.ds(16, 16)] = ex1

    def scat_body(v, _):
        lv = lbl_v[pl.ds(v * 16, 16)]
        rank, lastm = plsc.scan_count(lv)
        offs = plsc.load_gather(off_v, [lv])
        pos = offs + rank - 1
        plsc.store_scatter(ord_v, [pos], base + iota + v * 16)
        plsc.store_scatter(off_v, [lv], offs + rank, mask=lastm)
        return 0

    lax.fori_loop(0, _DVR, scat_body, 0)

    cp1 = pltpu.async_copy(ord_v, order_out.at[pl.ds(base, _DPW)], sem)
    cp2 = pltpu.async_copy(cnt_v, cnt_out.at[pl.ds(wid * 32, 32)], sem)
    cp1.wait()
    cp2.wait()


def _k2_body(dx_hbm, dy_hbm, dX_hbm, dY_hbm, order_hbm, cnt_hbm,
             gx_hbm, gy_hbm, gX_hbm, gY_hbm, gl_hbm,
             part_out,
             px_v, py_v, pX_v, pY_v, ord_v, cnt_v, lex_v,
             gx_v, gy_v, gX_v, gY_v, gl_v, m_v, acc_v, sem):
    wid = lax.axis_index("s") * 2 + lax.axis_index("c")
    base = wid * _OPW
    cps = [pltpu.async_copy(dx_hbm, px_v, sem),
           pltpu.async_copy(dy_hbm, py_v, sem),
           pltpu.async_copy(dX_hbm, pX_v, sem),
           pltpu.async_copy(dY_hbm, pY_v, sem),
           pltpu.async_copy(order_hbm, ord_v, sem),
           pltpu.async_copy(cnt_hbm, cnt_v, sem),
           pltpu.async_copy(gx_hbm.at[pl.ds(base, _OPW)],
                            gx_v.at[pl.ds(0, _OPW)], sem),
           pltpu.async_copy(gy_hbm.at[pl.ds(base, _OPW)],
                            gy_v.at[pl.ds(0, _OPW)], sem),
           pltpu.async_copy(gX_hbm.at[pl.ds(base, _OPW)],
                            gX_v.at[pl.ds(0, _OPW)], sem),
           pltpu.async_copy(gY_hbm.at[pl.ds(base, _OPW)],
                            gY_v.at[pl.ds(0, _OPW)], sem),
           pltpu.async_copy(gl_hbm.at[pl.ds(base, _OPW)],
                            gl_v.at[pl.ds(0, _OPW)], sem)]
    for cp in cps:
        cp.wait()

    iota = jnp.arange(16, dtype=jnp.int32)
    iotaf = iota.astype(jnp.float32)
    acc_v[...] = jnp.zeros((16,), jnp.float32)

    def lex_body(w, _):
        row0 = cnt_v[pl.ds(w * 32, 16)]
        row1 = cnt_v[pl.ds(w * 32 + 16, 16)]
        lex_v[pl.ds(w * 32, 16)] = plsc.cumsum(row0) - row0
        lex_v[pl.ds(w * 32 + 16, 16)] = (
            plsc.cumsum(row1) - row1 + jnp.sum(row0))
        return 0

    lax.fori_loop(0, 16, lex_body, 0)

    def obj_body(j, carry):
        c = gl_v[pl.ds(j, 16)][0]
        x0s = jnp.full((16,), gx_v[pl.ds(j, 16)][0], jnp.float32)
        y0s = jnp.full((16,), gy_v[pl.ds(j, 16)][0], jnp.float32)
        x1s = jnp.full((16,), gX_v[pl.ds(j, 16)][0], jnp.float32)
        y1s = jnp.full((16,), gY_v[pl.ds(j, 16)][0], jnp.float32)
        ag = (x1s - x0s) * (y1s - y0s)
        m_v[...] = jnp.full((16,), -1.0, jnp.float32)

        def run_body(w, _):
            s = w * _DPW + lex_v[pl.ds(w * 32 + c, 16)][0]
            e = s + cnt_v[pl.ds(w * 32 + c, 16)][0]
            s0 = (s >> 4) << 4
            nv = ((e + 15) >> 4) - (s >> 4)

            def vr_body(t, _):
                p0 = pl.multiple_of(s0 + t * 16, 16)
                idxv = ord_v[pl.ds(p0, 16)]
                xd = plsc.load_gather(px_v, [idxv])
                yd = plsc.load_gather(py_v, [idxv])
                Xd = plsc.load_gather(pX_v, [idxv])
                Yd = plsc.load_gather(pY_v, [idxv])
                ad = (Xd - xd) * (Yd - yd)
                lox = jnp.maximum(xd, x0s)
                loy = jnp.maximum(yd, y0s)
                hix = jnp.minimum(Xd, x1s)
                hiy = jnp.minimum(Yd, y1s)
                iw = jnp.maximum(hix - lox, 0.0)
                ih = jnp.maximum(hiy - loy, 0.0)
                inter = iw * ih
                union = (ag + ad) - inter
                iou = inter / union
                pos = p0 + iota
                ok = (pos >= s) & (pos < e)
                m_v[...] = jnp.maximum(m_v[...], jnp.where(ok, iou, -1.0))
                return 0

            lax.fori_loop(0, nv, vr_body, 0)
            return 0

        lax.fori_loop(0, 16, run_body, 0)
        best = jnp.max(m_v[...])
        matched = best >= 0.0
        contrib = jnp.where(matched, 1.0 - best, 0.0)
        cntc = jnp.where(matched, 1.0, 0.0)
        acc_v[...] = acc_v[...] + jnp.where(iotaf == 0.0, contrib, 0.0) \
            + jnp.where(iotaf == 1.0, cntc, 0.0)
        return carry

    lax.fori_loop(0, _OPW, obj_body, 0)
    pltpu.sync_copy(acc_v, part_out.at[wid])


def _k3_reduce(part_ref, out_ref):
    p = part_ref[...]
    s = jnp.sum(p[:, 0:1], keepdims=True)
    n = jnp.sum(p[:, 1:2], keepdims=True)
    out_ref[...] = (s / n).reshape(1, 1)


def kernel(det_boxes, det_scores, det_labels, boxes, labels):
    del det_scores
    f32, i32 = jnp.float32, jnp.int32
    db = det_boxes[0].astype(f32)
    dl = det_labels[0].astype(i32)
    gb = boxes[0].astype(f32)
    gl = labels[0].astype(i32)

    dx = jnp.zeros((_NDP,), f32).at[:_ND].set(db[:, 0])
    dy = jnp.zeros((_NDP,), f32).at[:_ND].set(db[:, 1])
    dX = jnp.zeros((_NDP,), f32).at[:_ND].set(db[:, 2])
    dY = jnp.zeros((_NDP,), f32).at[:_ND].set(db[:, 3])
    dlp = jnp.full((_NDP,), _DET_PAD_LBL, i32).at[:_ND].set(dl)

    gx = jnp.zeros((_NOP,), f32).at[:_NO].set(gb[:, 0])
    gy = jnp.zeros((_NOP,), f32).at[:_NO].set(gb[:, 1])
    gX = jnp.zeros((_NOP,), f32).at[:_NO].set(gb[:, 2])
    gY = jnp.zeros((_NOP,), f32).at[:_NO].set(gb[:, 3])
    glp = jnp.full((_NOP,), _OBJ_PAD_LBL, i32).at[:_NO].set(gl)

    mesh1 = plsc.VectorSubcoreMesh(
        core_axis_name="c", subcore_axis_name="s", num_cores=1,
        num_subcores=16)
    k1 = functools.partial(
        pl.kernel,
        out_type=(jax.ShapeDtypeStruct((_NDP,), i32),
                  jax.ShapeDtypeStruct((512,), i32)),
        mesh=mesh1,
        compiler_params=pltpu.CompilerParams(needs_layout_passes=False),
        scratch_types=[
            pltpu.VMEM((_DPW,), i32),
            pltpu.VMEM((_DPW,), i32),
            pltpu.VMEM((32,), i32),
            pltpu.VMEM((32,), i32),
            pltpu.SemaphoreType.DMA,
        ])(_k1_body)
    order, cnts = k1(dlp)

    mesh2 = plsc.VectorSubcoreMesh(
        core_axis_name="c", subcore_axis_name="s", num_cores=2,
        num_subcores=16)
    k2 = functools.partial(
        pl.kernel,
        out_type=jax.ShapeDtypeStruct((32, 16), f32),
        mesh=mesh2,
        compiler_params=pltpu.CompilerParams(needs_layout_passes=False),
        scratch_types=[
            pltpu.VMEM((_NDP,), f32), pltpu.VMEM((_NDP,), f32),
            pltpu.VMEM((_NDP,), f32), pltpu.VMEM((_NDP,), f32),
            pltpu.VMEM((_NDP,), i32),
            pltpu.VMEM((512,), i32),
            pltpu.VMEM((512,), i32),
            pltpu.VMEM((_OPW + 16,), f32), pltpu.VMEM((_OPW + 16,), f32),
            pltpu.VMEM((_OPW + 16,), f32), pltpu.VMEM((_OPW + 16,), f32),
            pltpu.VMEM((_OPW + 16,), i32),
            pltpu.VMEM((16,), f32),
            pltpu.VMEM((16,), f32),
            pltpu.SemaphoreType.DMA,
        ])(_k2_body)
    parts = k2(dx, dy, dX, dY, order, cnts, gx, gy, gX, gY, glp)

    out = pl.pallas_call(
        _k3_reduce,
        out_shape=jax.ShapeDtypeStruct((1, 1), f32),
    )(parts)
    return out[0, 0]

# --- scband reference (transcript-rebuilt; emitter-appended) ---
"""Pipeline reference for scband-attack-loss-31619549233713 (READ-ONLY COPY).

The authoritative reference and input builder live on the scoring server;
editing this copy changes nothing except your own understanding.
"""

import jax, jax.numpy as jnp
import numpy as np


def _find_jaccard_overlap(a, b):
    # a: [Na,4], b: [Nb,4] in boundary coords (xmin,ymin,xmax,ymax)
    lo = jnp.maximum(a[:, None, :2], b[None, :, :2])
    hi = jnp.minimum(a[:, None, 2:], b[None, :, 2:])
    wh = jnp.clip(hi - lo, 0.0, None)
    inter = wh[..., 0] * wh[..., 1]
    area_a = (a[:, 2] - a[:, 0]) * (a[:, 3] - a[:, 1])
    area_b = (b[:, 2] - b[:, 0]) * (b[:, 3] - b[:, 1])
    union = area_a[:, None] + area_b[None, :] - inter
    return inter / union


def _make_boxes(key, n):
    base = jax.random.uniform(key, (1, n, 4), dtype=jnp.float32)
    xy = base[..., :2] * 0.8
    wh = base[..., 2:] * 0.2 + 0.01
    return jnp.concatenate([xy, xy + wh], axis=-1)


def setup_inputs(seed: int = 0) -> dict:
    key = jax.random.key(seed)
    k1, k2, k3, k4, k5 = jax.random.split(key, 5)
    det_boxes = _make_boxes(k1, 20000)
    boxes = _make_boxes(k2, 1000)
    det_scores = jax.random.uniform(k3, (1, 20000), dtype=jnp.float32)
    det_labels = jax.random.randint(k4, (1, 20000), 0, 21, dtype=jnp.int64) if jax.config.jax_enable_x64 else jax.random.randint(k4, (1, 20000), 0, 21).astype(jnp.int32)
    labels = jax.random.randint(k5, (1, 1000), 0, 21, dtype=jnp.int64) if jax.config.jax_enable_x64 else jax.random.randint(k5, (1, 1000), 0, 21).astype(jnp.int32)
    return {"det_boxes": det_boxes, "det_scores": det_scores, "det_labels": det_labels, "boxes": boxes, "labels": labels}


def reference(det_boxes, det_scores, det_labels, boxes, labels):
    # batch_id = 0 only, as in the original forward
    db = det_boxes[0]
    ds = det_scores[0]
    dl = det_labels[0]
    gb = boxes[0]
    gl = labels[0]
    overlap = _find_jaccard_overlap(gb, db)  # [n_objects, n_detection]
    # Due to the occupancy bug (== instead of =), occupancy never updates, so the loop
    # reduces to: for each object, pick the matching-label detection with max overlap.
    match = gl[:, None] == dl[None, :]
    neg = jnp.finfo(overlap.dtype).min
    masked = jnp.where(match, overlap, neg)
    best_idx = jnp.argmax(masked, axis=1)
    best_ov = jnp.take_along_axis(masked, best_idx[:, None], axis=1)[:, 0]
    has_match = jnp.any(match, axis=1)
    w = has_match.astype(overlap.dtype)
    best_ov = jnp.where(has_match, best_ov, 0.0)
    best_score = jnp.where(has_match, ds[best_idx], 0.0)
    n = jnp.sum(w)
    con_loss_all = jnp.sum(w * (1.0 - best_score)) / n  # computed but unused, as in original
    loc_loss_all = jnp.sum(w * (1.0 - best_ov)) / n
    return loc_loss_all

if __name__ == "__main__":
    import jax
    _d = setup_inputs()
    print(jax.jit(kernel)(*tuple(_d.values())))

</pallas_src>

<mosaic_0001>
#map = affine_map<(d0, d1) -> (0)>
module attributes {stable_mosaic.version = 14 : i64} {
  func.func @_k1_body(%arg0: i32, %arg1: i32, %arg2: memref<20480xi32, #tpu.memory_space<hbm>>, %arg3: memref<20480xi32, #tpu.memory_space<hbm>>, %arg4: memref<512xi32, #tpu.memory_space<hbm>>, %arg5: memref<1280xi32, #tpu.memory_space<vmem>>, %arg6: memref<1280xi32, #tpu.memory_space<vmem>>, %arg7: memref<32xi32, #tpu.memory_space<vmem>>, %arg8: memref<32xi32, #tpu.memory_space<vmem>>, %arg9: memref<!tpu.dma_semaphore, #tpu.memory_space<semaphore_mem>>) attributes {dimension_semantics = [#tpu.dimension_semantics<core_parallel>, #tpu.dimension_semantics<subcore_parallel>], iteration_bounds = array<i64: 1, 16>, scalar_prefetch = 0 : i64, scratch_operands = 5 : i64, tpu.core_type = #tpu.core_type<sc_vector_subcore>, window_params = [{transform_indices = #map}, {transform_indices = #map}, {transform_indices = #map}]} {
    %mul3A = arith.constant 1280 : i32
    %mul3A_0 = arith.muli %arg1, %mul3A : i32
    "tpu.region"() ({
      %run_scoped3A = tpu.sem_alloc : memref<!tpu.dma_semaphore, #tpu.memory_space<semaphore_mem>>
      %dma_start3A_43 = tpu.memref_slice %arg2[%mul3A_0] : memref<20480xi32, #tpu.memory_space<hbm>> -> memref<1280xi32, #tpu.memory_space<hbm>>
      %dma_start3A_44 = tpu.memref_slice %arg2[%mul3A_0] : memref<20480xi32, #tpu.memory_space<hbm>> -> memref<1280xi32, #tpu.memory_space<hbm>>
      tpu.enqueue_dma source(%dma_start3A_44 : memref<1280xi32, #tpu.memory_space<hbm>>) target(%arg5 : memref<1280xi32, #tpu.memory_space<vmem>>) target_semaphore(%run_scoped3A : memref<!tpu.dma_semaphore, #tpu.memory_space<semaphore_mem>>)
      %dma_wait3A_45 = tpu.memref_slice %arg2[%mul3A_0] : memref<20480xi32, #tpu.memory_space<hbm>> -> memref<1280xi32, #tpu.memory_space<hbm>>
      %dma_wait3A_46 = tpu.memref_slice %arg2[%mul3A_0] : memref<20480xi32, #tpu.memory_space<hbm>> -> memref<1280xi32, #tpu.memory_space<hbm>>
      tpu.wait_dma2 semaphore(%run_scoped3A : memref<!tpu.dma_semaphore, #tpu.memory_space<semaphore_mem>>) src(%dma_wait3A_46 : memref<1280xi32, #tpu.memory_space<hbm>>) dst(%arg5 : memref<1280xi32, #tpu.memory_space<vmem>>)
      tpu.yield
    }) : () -> ()
    %iota3A = tpu.iota {dimensions = array<i32: 0>} : vector<16xi32>
    %broadcast_in_dim3A = arith.constant 0 : i32
    %broadcast_in_dim3A_1 = vector.broadcast %broadcast_in_dim3A : i32 to vector<16xi32>
    %swap3A = arith.constant 0 : index
    %swap3A_2 = tpu.vector_load %arg7[%swap3A] {strides = array<i32>} : memref<32xi32, #tpu.memory_space<vmem>>, vector<16xi32>,
    tpu.vector_store %arg7[%swap3A], %broadcast_in_dim3A_1 {strides = array<i32>} : memref<32xi32, #tpu.memory_space<vmem>>, vector<16xi32>,
    %swap3A_3 = arith.constant 16 : index
    %swap3A_4 = tpu.vector_load %arg7[%swap3A_3] {strides = array<i32>} : memref<32xi32, #tpu.memory_space<vmem>>, vector<16xi32>,
    tpu.vector_store %arg7[%swap3A_3], %broadcast_in_dim3A_1 {strides = array<i32>} : memref<32xi32, #tpu.memory_space<vmem>>, vector<16xi32>,
    %scan3A = arith.constant 0 : i32
    %scan3A_5 = arith.constant 0 : i32
    %scan3A_6 = arith.constant 80 : i32
    %scan3A_7 = arith.addi %scan3A_5, %scan3A_6 : i32
    %scan3A_8 = arith.constant 1 : i32
    %scan3A_9 = scf.for %scan3A_43 = %scan3A_5 to %scan3A_7 step %scan3A_8 iter_args(%scan3A_44 = %scan3A) -> (i32)  : i32 {
      %mul3A_45 = arith.constant 16 : i32
      %mul3A_46 = arith.muli %scan3A_43, %mul3A_45 : i32
      %get3A_47 = arith.index_cast %mul3A_46 : i32 to index
      %get3A_48 = tpu.vector_load %arg5[%get3A_47] {strides = array<i32>} : memref<1280xi32, #tpu.memory_space<vmem>>, vector<16xi32>,
      %broadcast_in_dim3A_49 = arith.constant true
      %broadcast_in_dim3A_50 = vector.broadcast %broadcast_in_dim3A_49 : i1 to vector<16xi1>
      %unique3A, %unique3A_51 = tpu.scan_count mask(%broadcast_in_dim3A_50 : vector<16xi1>) value(%get3A_48 : vector<16xi32>) : vector<16xi1>, vector<16xi32>
      %gather3A = tpu.vector_load_idx %arg7[%get3A_48] : memref<32xi32, #tpu.memory_space<vmem>>[vector<16xi32>], vector<16xi32>,
      %add3A_52 = arith.addi %gather3A, %unique3A_51 : vector<16xi32>
      tpu.vector_store_idx %arg7[%get3A_48], %add3A_52 masked %unique3A : memref<32xi32, #tpu.memory_space<vmem>>[vector<16xi32>], vector<16xi32>, vector<16xi1>
      %scan3A_53 = arith.constant 0 : i32
      scf.yield %scan3A_53 : i32
    }
    %scan3A_10 = arith.constant 80 : i32
    %get3A = arith.constant 0 : index
    %get3A_11 = tpu.vector_load %arg7[%get3A] {strides = array<i32>} : memref<32xi32, #tpu.memory_space<vmem>>, vector<16xi32>,
    %get3A_12 = arith.constant 16 : index
    %get3A_13 = tpu.vector_load %arg7[%get3A_12] {strides = array<i32>} : memref<32xi32, #tpu.memory_space<vmem>>, vector<16xi32>,
    %broadcast_in_dim3A_14 = arith.constant true
    %broadcast_in_dim3A_15 = vector.broadcast %broadcast_in_dim3A_14 : i1 to vector<16xi1>
    %masked_cumsum3A = tpu.scan <sum>, %get3A_11 masked %broadcast_in_dim3A_15 : vector<16xi32>, vector<16xi1> -> vector<16xi32>
    %sub3A = arith.subi %masked_cumsum3A, %get3A_11 : vector<16xi32>
    %broadcast_in_dim3A_16 = arith.constant true
    %broadcast_in_dim3A_17 = vector.broadcast %broadcast_in_dim3A_16 : i1 to vector<16xi1>
    %masked_cumsum3A_18 = tpu.scan <sum>, %get3A_13 masked %broadcast_in_dim3A_17 : vector<16xi32>, vector<16xi1> -> vector<16xi32>
    %sub3A_19 = arith.subi %masked_cumsum3A_18, %get3A_13 : vector<16xi32>
    %reduce_sum3A = arith.constant true
    %reduce_sum3A_20 = vector.broadcast %reduce_sum3A : i1 to vector<16xi1>
    %reduce_sum3A_21 = tpu.scan <sum>, %get3A_11 masked %reduce_sum3A_20 : vector<16xi32>, vector<16xi1> -> vector<16xi32>
    %reduce_sum3A_22 = vector.extract %reduce_sum3A_21[15] : i32 from vector<16xi32>
    %add3A = vector.broadcast %reduce_sum3A_22 : i32 to vector<16xi32>
    %add3A_23 = arith.addi %sub3A_19, %add3A : vector<16xi32>
    %swap3A_24 = arith.constant 0 : index
    %swap3A_25 = tpu.vector_load %arg8[%swap3A_24] {strides = array<i32>} : memref<32xi32, #tpu.memory_space<vmem>>, vector<16xi32>,
    tpu.vector_store %arg8[%swap3A_24], %sub3A {strides = array<i32>} : memref<32xi32, #tpu.memory_space<vmem>>, vector<16xi32>,
    %swap3A_26 = arith.constant 16 : index
    %swap3A_27 = tpu.vector_load %arg8[%swap3A_26] {strides = array<i32>} : memref<32xi32, #tpu.memory_space<vmem>>, vector<16xi32>,
    tpu.vector_store %arg8[%swap3A_26], %add3A_23 {strides = array<i32>} : memref<32xi32, #tpu.memory_space<vmem>>, vector<16xi32>,
    %scan3A_28 = arith.constant 0 : i32
    %scan3A_29 = arith.constant 0 : i32
    %scan3A_30 = arith.constant 80 : i32
    %scan3A_31 = arith.addi %scan3A_29, %scan3A_30 : i32
    %scan3A_32 = arith.constant 1 : i32
    %scan3A_33 = scf.for %scan3A_43 = %scan3A_29 to %scan3A_31 step %scan3A_32 iter_args(%scan3A_44 = %scan3A_28) -> (i32)  : i32 {
      %mul3A_45 = arith.constant 16 : i32
      %mul3A_46 = arith.muli %scan3A_43, %mul3A_45 : i32
      %get3A_47 = arith.index_cast %mul3A_46 : i32 to index
      %get3A_48 = tpu.vector_load %arg5[%get3A_47] {strides = array<i32>} : memref<1280xi32, #tpu.memory_space<vmem>>, vector<16xi32>,
      %broadcast_in_dim3A_49 = arith.constant true
      %broadcast_in_dim3A_50 = vector.broadcast %broadcast_in_dim3A_49 : i1 to vector<16xi1>
      %unique3A, %unique3A_51 = tpu.scan_count mask(%broadcast_in_dim3A_50 : vector<16xi1>) value(%get3A_48 : vector<16xi32>) : vector<16xi1>, vector<16xi32>
      %gather3A = tpu.vector_load_idx %arg8[%get3A_48] : memref<32xi32, #tpu.memory_space<vmem>>[vector<16xi32>], vector<16xi32>,
      %add3A_52 = arith.addi %gather3A, %unique3A_51 : vector<16xi32>
      %sub3A_53 = arith.constant 1 : i32
      %sub3A_54 = vector.broadcast %sub3A_53 : i32 to vector<16xi32>
      %sub3A_55 = arith.subi %add3A_52, %sub3A_54 : vector<16xi32>
      %add3A_56 = vector.broadcast %mul3A_0 : i32 to vector<16xi32>
      %add3A_57 = arith.addi %add3A_56, %iota3A : vector<16xi32>
      %mul3A_58 = arith.constant 16 : i32
      %mul3A_59 = arith.muli %scan3A_43, %mul3A_58 : i32
      %add3A_60 = vector.broadcast %mul3A_59 : i32 to vector<16xi32>
      %add3A_61 = arith.addi %add3A_57, %add3A_60 : vector<16xi32>
      tpu.vector_store_idx %arg6[%sub3A_55], %add3A_61 : memref<1280xi32, #tpu.memory_space<vmem>>[vector<16xi32>], vector<16xi32>,
      %add3A_62 = arith.addi %gather3A, %unique3A_51 : vector<16xi32>
      tpu.vector_store_idx %arg8[%get3A_48], %add3A_62 masked %unique3A : memref<32xi32, #tpu.memory_space<vmem>>[vector<16xi32>], vector<16xi32>, vector<16xi1>
      %scan3A_63 = arith.constant 0 : i32
      scf.yield %scan3A_63 : i32
    }
    %scan3A_34 = arith.constant 80 : i32
    %dma_start3A = tpu.memref_slice %arg3[%mul3A_0] : memref<20480xi32, #tpu.memory_space<hbm>> -> memref<1280xi32, #tpu.memory_space<hbm>>
    %dma_start3A_35 = tpu.memref_slice %arg3[%mul3A_0] : memref<20480xi32, #tpu.memory_space<hbm>> -> memref<1280xi32, #tpu.memory_space<hbm>>
    tpu.enqueue_dma source(%arg6 : memref<1280xi32, #tpu.memory_space<vmem>>) target(%dma_start3A_35 : memref<1280xi32, #tpu.memory_space<hbm>>) target_semaphore(%arg9 : memref<!tpu.dma_semaphore, #tpu.memory_space<semaphore_mem>>)
    %mul3A_36 = arith.constant 32 : i32
    %mul3A_37 = arith.muli %arg1, %mul3A_36 : i32
    %dma_start3A_38 = tpu.memref_slice %arg4[%mul3A_37] : memref<512xi32, #tpu.memory_space<hbm>> -> memref<32xi32, #tpu.memory_space<hbm>>
    %dma_start3A_39 = tpu.memref_slice %arg4[%mul3A_37] : memref<512xi32, #tpu.memory_space<hbm>> -> memref<32xi32, #tpu.memory_space<hbm>>
    tpu.enqueue_dma source(%arg7 : memref<32xi32, #tpu.memory_space<vmem>>) target(%dma_start3A_39 : memref<32xi32, #tpu.memory_space<hbm>>) target_semaphore(%arg9 : memref<!tpu.dma_semaphore, #tpu.memory_space<semaphore_mem>>)
    %dma_wait3A = tpu.memref_slice %arg3[%mul3A_0] : memref<20480xi32, #tpu.memory_space<hbm>> -> memref<1280xi32, #tpu.memory_space<hbm>>
    %dma_wait3A_40 = tpu.memref_slice %arg3[%mul3A_0] : memref<20480xi32, #tpu.memory_space<hbm>> -> memref<1280xi32, #tpu.memory_space<hbm>>
    tpu.wait_dma2 semaphore(%arg9 : memref<!tpu.dma_semaphore, #tpu.memory_space<semaphore_mem>>) src(%arg6 : memref<1280xi32, #tpu.memory_space<vmem>>) dst(%dma_wait3A_40 : memref<1280xi32, #tpu.memory_space<hbm>>)
    %dma_wait3A_41 = tpu.memref_slice %arg4[%mul3A_37] : memref<512xi32, #tpu.memory_space<hbm>> -> memref<32xi32, #tpu.memory_space<hbm>>
    %dma_wait3A_42 = tpu.memref_slice %arg4[%mul3A_37] : memref<512xi32, #tpu.memory_space<hbm>> -> memref<32xi32, #tpu.memory_space<hbm>>
    tpu.wait_dma2 semaphore(%arg9 : memref<!tpu.dma_semaphore, #tpu.memory_space<semaphore_mem>>) src(%arg7 : memref<32xi32, #tpu.memory_space<vmem>>) dst(%dma_wait3A_42 : memref<32xi32, #tpu.memory_space<hbm>>)
    return
  }
}

#map = affine_map<(d0, d1) -> (0)>
#map1 = affine_map<(d0, d1) -> (0, 0)>
module attributes {stable_mosaic.version = 14 : i64} {
  func.func @_k2_body(%arg0: i32, %arg1: i32, %arg2: memref<20480xf32, #tpu.memory_space<hbm>>, %arg3: memref<20480xf32, #tpu.memory_space<hbm>>, %arg4: memref<20480xf32, #tpu.memory_space<hbm>>, %arg5: memref<20480xf32, #tpu.memory_space<hbm>>, %arg6: memref<20480xi32, #tpu.memory_space<hbm>>, %arg7: memref<512xi32, #tpu.memory_space<hbm>>, %arg8: memref<1024xf32, #tpu.memory_space<hbm>>, %arg9: memref<1024xf32, #tpu.memory_space<hbm>>, %arg10: memref<1024xf32, #tpu.memory_space<hbm>>, %arg11: memref<1024xf32, #tpu.memory_space<hbm>>, %arg12: memref<1024xi32, #tpu.memory_space<hbm>>, %arg13: memref<32x16xf32, #tpu.memory_space<hbm>>, %arg14: memref<20480xf32, #tpu.memory_space<vmem>>, %arg15: memref<20480xf32, #tpu.memory_space<vmem>>, %arg16: memref<20480xf32, #tpu.memory_space<vmem>>, %arg17: memref<20480xf32, #tpu.memory_space<vmem>>, %arg18: memref<20480xi32, #tpu.memory_space<vmem>>, %arg19: memref<512xi32, #tpu.memory_space<vmem>>, %arg20: memref<512xi32, #tpu.memory_space<vmem>>, %arg21: memref<48xf32, #tpu.memory_space<vmem>>, %arg22: memref<48xf32, #tpu.memory_space<vmem>>, %arg23: memref<48xf32, #tpu.memory_space<vmem>>, %arg24: memref<48xf32, #tpu.memory_space<vmem>>, %arg25: memref<48xi32, #tpu.memory_space<vmem>>, %arg26: memref<16xf32, #tpu.memory_space<vmem>>, %arg27: memref<16xf32, #tpu.memory_space<vmem>>, %arg28: memref<!tpu.dma_semaphore, #tpu.memory_space<semaphore_mem>>) attributes {dimension_semantics = [#tpu.dimension_semantics<core_parallel>, #tpu.dimension_semantics<subcore_parallel>], iteration_bounds = array<i64: 2, 16>, scalar_prefetch = 0 : i64, scratch_operands = 15 : i64, tpu.core_type = #tpu.core_type<sc_vector_subcore>, window_params = [{transform_indices = #map}, {transform_indices = #map}, {transform_indices = #map}, {transform_indices = #map}, {transform_indices = #map}, {transform_indices = #map}, {transform_indices = #map}, {transform_indices = #map}, {transform_indices = #map}, {transform_indices = #map}, {transform_indices = #map}, {transform_indices = #map1}]} {
    %mul3A = arith.constant 2 : i32
    %mul3A_0 = arith.muli %arg1, %mul3A : i32
    %add3A = arith.addi %mul3A_0, %arg0 : i32
    %mul3A_1 = arith.constant 32 : i32
    %mul3A_2 = arith.muli %add3A, %mul3A_1 : i32
    tpu.enqueue_dma source(%arg2 : memref<20480xf32, #tpu.memory_space<hbm>>) target(%arg14 : memref<20480xf32, #tpu.memory_space<vmem>>) target_semaphore(%arg28 : memref<!tpu.dma_semaphore, #tpu.memory_space<semaphore_mem>>)
    tpu.enqueue_dma source(%arg3 : memref<20480xf32, #tpu.memory_space<hbm>>) target(%arg15 : memref<20480xf32, #tpu.memory_space<vmem>>) target_semaphore(%arg28 : memref<!tpu.dma_semaphore, #tpu.memory_space<semaphore_mem>>)
    tpu.enqueue_dma source(%arg4 : memref<20480xf32, #tpu.memory_space<hbm>>) target(%arg16 : memref<20480xf32, #tpu.memory_space<vmem>>) target_semaphore(%arg28 : memref<!tpu.dma_semaphore, #tpu.memory_space<semaphore_mem>>)
    tpu.enqueue_dma source(%arg5 : memref<20480xf32, #tpu.memory_space<hbm>>) target(%arg17 : memref<20480xf32, #tpu.memory_space<vmem>>) target_semaphore(%arg28 : memref<!tpu.dma_semaphore, #tpu.memory_space<semaphore_mem>>)
    tpu.enqueue_dma source(%arg6 : memref<20480xi32, #tpu.memory_space<hbm>>) target(%arg18 : memref<20480xi32, #tpu.memory_space<vmem>>) target_semaphore(%arg28 : memref<!tpu.dma_semaphore, #tpu.memory_space<semaphore_mem>>)
    tpu.enqueue_dma source(%arg7 : memref<512xi32, #tpu.memory_space<hbm>>) target(%arg19 : memref<512xi32, #tpu.memory_space<vmem>>) target_semaphore(%arg28 : memref<!tpu.dma_semaphore, #tpu.memory_space<semaphore_mem>>)
    %dma_start3A = arith.constant 0 : i32
    %dma_start3A_3 = tpu.memref_slice %arg21[%dma_start3A] : memref<48xf32, #tpu.memory_space<vmem>> -> memref<32xf32, #tpu.memory_space<vmem>>
    %dma_start3A_4 = tpu.memref_slice %arg8[%mul3A_2] : memref<1024xf32, #tpu.memory_space<hbm>> -> memref<32xf32, #tpu.memory_space<hbm>>
    %dma_start3A_5 = arith.constant 0 : i32
    %dma_start3A_6 = tpu.memref_slice %arg21[%dma_start3A_5] : memref<48xf32, #tpu.memory_space<vmem>> -> memref<32xf32, #tpu.memory_space<vmem>>
    %dma_start3A_7 = tpu.memref_slice %arg8[%mul3A_2] : memref<1024xf32, #tpu.memory_space<hbm>> -> memref<32xf32, #tpu.memory_space<hbm>>
    tpu.enqueue_dma source(%dma_start3A_7 : memref<32xf32, #tpu.memory_space<hbm>>) target(%dma_start3A_6 : memref<32xf32, #tpu.memory_space<vmem>>) target_semaphore(%arg28 : memref<!tpu.dma_semaphore, #tpu.memory_space<semaphore_mem>>)
    %dma_start3A_8 = arith.constant 0 : i32
    %dma_start3A_9 = tpu.memref_slice %arg22[%dma_start3A_8] : memref<48xf32, #tpu.memory_space<vmem>> -> memref<32xf32, #tpu.memory_space<vmem>>
    %dma_start3A_10 = tpu.memref_slice %arg9[%mul3A_2] : memref<1024xf32, #tpu.memory_space<hbm>> -> memref<32xf32, #tpu.memory_space<hbm>>
    %dma_start3A_11 = arith.constant 0 : i32
    %dma_start3A_12 = tpu.memref_slice %arg22[%dma_start3A_11] : memref<48xf32, #tpu.memory_space<vmem>> -> memref<32xf32, #tpu.memory_space<vmem>>
    %dma_start3A_13 = tpu.memref_slice %arg9[%mul3A_2] : memref<1024xf32, #tpu.memory_space<hbm>> -> memref<32xf32, #tpu.memory_space<hbm>>
    tpu.enqueue_dma source(%dma_start3A_13 : memref<32xf32, #tpu.memory_space<hbm>>) target(%dma_start3A_12 : memref<32xf32, #tpu.memory_space<vmem>>) target_semaphore(%arg28 : memref<!tpu.dma_semaphore, #tpu.memory_space<semaphore_mem>>)
    %dma_start3A_14 = arith.constant 0 : i32
    %dma_start3A_15 = tpu.memref_slice %arg23[%dma_start3A_14] : memref<48xf32, #tpu.memory_space<vmem>> -> memref<32xf32, #tpu.memory_space<vmem>>
    %dma_start3A_16 = tpu.memref_slice %arg10[%mul3A_2] : memref<1024xf32, #tpu.memory_space<hbm>> -> memref<32xf32, #tpu.memory_space<hbm>>
    %dma_start3A_17 = arith.constant 0 : i32
    %dma_start3A_18 = tpu.memref_slice %arg23[%dma_start3A_17] : memref<48xf32, #tpu.memory_space<vmem>> -> memref<32xf32, #tpu.memory_space<vmem>>
    %dma_start3A_19 = tpu.memref_slice %arg10[%mul3A_2] : memref<1024xf32, #tpu.memory_space<hbm>> -> memref<32xf32, #tpu.memory_space<hbm>>
    tpu.enqueue_dma source(%dma_start3A_19 : memref<32xf32, #tpu.memory_space<hbm>>) target(%dma_start3A_18 : memref<32xf32, #tpu.memory_space<vmem>>) target_semaphore(%arg28 : memref<!tpu.dma_semaphore, #tpu.memory_space<semaphore_mem>>)
    %dma_start3A_20 = arith.constant 0 : i32
    %dma_start3A_21 = tpu.memref_slice %arg24[%dma_start3A_20] : memref<48xf32, #tpu.memory_space<vmem>> -> memref<32xf32, #tpu.memory_space<vmem>>
    %dma_start3A_22 = tpu.memref_slice %arg11[%mul3A_2] : memref<1024xf32, #tpu.memory_space<hbm>> -> memref<32xf32, #tpu.memory_space<hbm>>
    %dma_start3A_23 = arith.constant 0 : i32
    %dma_start3A_24 = tpu.memref_slice %arg24[%dma_start3A_23] : memref<48xf32, #tpu.memory_space<vmem>> -> memref<32xf32, #tpu.memory_space<vmem>>
    %dma_start3A_25 = tpu.memref_slice %arg11[%mul3A_2] : memref<1024xf32, #tpu.memory_space<hbm>> -> memref<32xf32, #tpu.memory_space<hbm>>
    tpu.enqueue_dma source(%dma_start3A_25 : memref<32xf32, #tpu.memory_space<hbm>>) target(%dma_start3A_24 : memref<32xf32, #tpu.memory_space<vmem>>) target_semaphore(%arg28 : memref<!tpu.dma_semaphore, #tpu.memory_space<semaphore_mem>>)
    %dma_start3A_26 = arith.constant 0 : i32
    %dma_start3A_27 = tpu.memref_slice %arg25[%dma_start3A_26] : memref<48xi32, #tpu.memory_space<vmem>> -> memref<32xi32, #tpu.memory_space<vmem>>
    %dma_start3A_28 = tpu.memref_slice %arg12[%mul3A_2] : memref<1024xi32, #tpu.memory_space<hbm>> -> memref<32xi32, #tpu.memory_space<hbm>>
    %dma_start3A_29 = arith.constant 0 : i32
    %dma_start3A_30 = tpu.memref_slice %arg25[%dma_start3A_29] : memref<48xi32, #tpu.memory_space<vmem>> -> memref<32xi32, #tpu.memory_space<vmem>>
    %dma_start3A_31 = tpu.memref_slice %arg12[%mul3A_2] : memref<1024xi32, #tpu.memory_space<hbm>> -> memref<32xi32, #tpu.memory_space<hbm>>
    tpu.enqueue_dma source(%dma_start3A_31 : memref<32xi32, #tpu.memory_space<hbm>>) target(%dma_start3A_30 : memref<32xi32, #tpu.memory_space<vmem>>) target_semaphore(%arg28 : memref<!tpu.dma_semaphore, #tpu.memory_space<semaphore_mem>>)
    tpu.wait_dma2 semaphore(%arg28 : memref<!tpu.dma_semaphore, #tpu.memory_space<semaphore_mem>>) src(%arg2 : memref<20480xf32, #tpu.memory_space<hbm>>) dst(%arg14 : memref<20480xf32, #tpu.memory_space<vmem>>)
    tpu.wait_dma2 semaphore(%arg28 : memref<!tpu.dma_semaphore, #tpu.memory_space<semaphore_mem>>) src(%arg3 : memref<20480xf32, #tpu.memory_space<hbm>>) dst(%arg15 : memref<20480xf32, #tpu.memory_space<vmem>>)
    tpu.wait_dma2 semaphore(%arg28 : memref<!tpu.dma_semaphore, #tpu.memory_space<semaphore_mem>>) src(%arg4 : memref<20480xf32, #tpu.memory_space<hbm>>) dst(%arg16 : memref<20480xf32, #tpu.memory_space<vmem>>)
    tpu.wait_dma2 semaphore(%arg28 : memref<!tpu.dma_semaphore, #tpu.memory_space<semaphore_mem>>) src(%arg5 : memref<20480xf32, #tpu.memory_space<hbm>>) dst(%arg17 : memref<20480xf32, #tpu.memory_space<vmem>>)
    tpu.wait_dma2 semaphore(%arg28 : memref<!tpu.dma_semaphore, #tpu.memory_space<semaphore_mem>>) src(%arg6 : memref<20480xi32, #tpu.memory_space<hbm>>) dst(%arg18 : memref<20480xi32, #tpu.memory_space<vmem>>)
    tpu.wait_dma2 semaphore(%arg28 : memref<!tpu.dma_semaphore, #tpu.memory_space<semaphore_mem>>) src(%arg7 : memref<512xi32, #tpu.memory_space<hbm>>) dst(%arg19 : memref<512xi32, #tpu.memory_space<vmem>>)
    %dma_wait3A = arith.constant 0 : i32
    %dma_wait3A_32 = tpu.memref_slice %arg21[%dma_wait3A] : memref<48xf32, #tpu.memory_space<vmem>> -> memref<32xf32, #tpu.memory_space<vmem>>
    %dma_wait3A_33 = tpu.memref_slice %arg8[%mul3A_2] : memref<1024xf32, #tpu.memory_space<hbm>> -> memref<32xf32, #tpu.memory_space<hbm>>
    %dma_wait3A_34 = arith.constant 0 : i32
    %dma_wait3A_35 = tpu.memref_slice %arg21[%dma_wait3A_34] : memref<48xf32, #tpu.memory_space<vmem>> -> memref<32xf32, #tpu.memory_space<vmem>>
    %dma_wait3A_36 = tpu.memref_slice %arg8[%mul3A_2] : memref<1024xf32, #tpu.memory_space<hbm>> -> memref<32xf32, #tpu.memory_space<hbm>>
    tpu.wait_dma2 semaphore(%arg28 : memref<!tpu.dma_semaphore, #tpu.memory_space<semaphore_mem>>) src(%dma_wait3A_36 : memref<32xf32, #tpu.memory_space<hbm>>) dst(%dma_wait3A_35 : memref<32xf32, #tpu.memory_space<vmem>>)
    %dma_wait3A_37 = arith.constant 0 : i32
    %dma_wait3A_38 = tpu.memref_slice %arg22[%dma_wait3A_37] : memref<48xf32, #tpu.memory_space<vmem>> -> memref<32xf32, #tpu.memory_space<vmem>>
    %dma_wait3A_39 = tpu.memref_slice %arg9[%mul3A_2] : memref<1024xf32, #tpu.memory_space<hbm>> -> memref<32xf32, #tpu.memory_space<hbm>>
    %dma_wait3A_40 = arith.constant 0 : i32
    %dma_wait3A_41 = tpu.memref_slice %arg22[%dma_wait3A_40] : memref<48xf32, #tpu.memory_space<vmem>> -> memref<32xf32, #tpu.memory_space<vmem>>
    %dma_wait3A_42 = tpu.memref_slice %arg9[%mul3A_2] : memref<1024xf32, #tpu.memory_space<hbm>> -> memref<32xf32, #tpu.memory_space<hbm>>
    tpu.wait_dma2 semaphore(%arg28 : memref<!tpu.dma_semaphore, #tpu.memory_space<semaphore_mem>>) src(%dma_wait3A_42 : memref<32xf32, #tpu.memory_space<hbm>>) dst(%dma_wait3A_41 : memref<32xf32, #tpu.memory_space<vmem>>)
    %dma_wait3A_43 = arith.constant 0 : i32
    %dma_wait3A_44 = tpu.memref_slice %arg23[%dma_wait3A_43] : memref<48xf32, #tpu.memory_space<vmem>> -> memref<32xf32, #tpu.memory_space<vmem>>
    %dma_wait3A_45 = tpu.memref_slice %arg10[%mul3A_2] : memref<1024xf32, #tpu.memory_space<hbm>> -> memref<32xf32, #tpu.memory_space<hbm>>
    %dma_wait3A_46 = arith.constant 0 : i32
    %dma_wait3A_47 = tpu.memref_slice %arg23[%dma_wait3A_46] : memref<48xf32, #tpu.memory_space<vmem>> -> memref<32xf32, #tpu.memory_space<vmem>>
    %dma_wait3A_48 = tpu.memref_slice %arg10[%mul3A_2] : memref<1024xf32, #tpu.memory_space<hbm>> -> memref<32xf32, #tpu.memory_space<hbm>>
    tpu.wait_dma2 semaphore(%arg28 : memref<!tpu.dma_semaphore, #tpu.memory_space<semaphore_mem>>) src(%dma_wait3A_48 : memref<32xf32, #tpu.memory_space<hbm>>) dst(%dma_wait3A_47 : memref<32xf32, #tpu.memory_space<vmem>>)
    %dma_wait3A_49 = arith.constant 0 : i32
    %dma_wait3A_50 = tpu.memref_slice %arg24[%dma_wait3A_49] : memref<48xf32, #tpu.memory_space<vmem>> -> memref<32xf32, #tpu.memory_space<vmem>>
    %dma_wait3A_51 = tpu.memref_slice %arg11[%mul3A_2] : memref<1024xf32, #tpu.memory_space<hbm>> -> memref<32xf32, #tpu.memory_space<hbm>>
    %dma_wait3A_52 = arith.constant 0 : i32
    %dma_wait3A_53 = tpu.memref_slice %arg24[%dma_wait3A_52] : memref<48xf32, #tpu.memory_space<vmem>> -> memref<32xf32, #tpu.memory_space<vmem>>
    %dma_wait3A_54 = tpu.memref_slice %arg11[%mul3A_2] : memref<1024xf32, #tpu.memory_space<hbm>> -> memref<32xf32, #tpu.memory_space<hbm>>
    tpu.wait_dma2 semaphore(%arg28 : memref<!tpu.dma_semaphore, #tpu.memory_space<semaphore_mem>>) src(%dma_wait3A_54 : memref<32xf32, #tpu.memory_space<hbm>>) dst(%dma_wait3A_53 : memref<32xf32, #tpu.memory_space<vmem>>)
    %dma_wait3A_55 = arith.constant 0 : i32
    %dma_wait3A_56 = tpu.memref_slice %arg25[%dma_wait3A_55] : memref<48xi32, #tpu.memory_space<vmem>> -> memref<32xi32, #tpu.memory_space<vmem>>
    %dma_wait3A_57 = tpu.memref_slice %arg12[%mul3A_2] : memref<1024xi32, #tpu.memory_space<hbm>> -> memref<32xi32, #tpu.memory_space<hbm>>
    %dma_wait3A_58 = arith.constant 0 : i32
    %dma_wait3A_59 = tpu.memref_slice %arg25[%dma_wait3A_58] : memref<48xi32, #tpu.memory_space<vmem>> -> memref<32xi32, #tpu.memory_space<vmem>>
    %dma_wait3A_60 = tpu.memref_slice %arg12[%mul3A_2] : memref<1024xi32, #tpu.memory_space<hbm>> -> memref<32xi32, #tpu.memory_space<hbm>>
    tpu.wait_dma2 semaphore(%arg28 : memref<!tpu.dma_semaphore, #tpu.memory_space<semaphore_mem>>) src(%dma_wait3A_60 : memref<32xi32, #tpu.memory_space<hbm>>) dst(%dma_wait3A_59 : memref<32xi32, #tpu.memory_space<vmem>>)
    %iota3A = tpu.iota {dimensions = array<i32: 0>} : vector<16xi32>
    %convert_element_type3A = arith.sitofp %iota3A : vector<16xi32> to vector<16xf32>
    %broadcast_in_dim3A = arith.constant 0.000000e+00 : f32
    %broadcast_in_dim3A_61 = vector.broadcast %broadcast_in_dim3A : f32 to vector<16xf32>
    %swap3A = arith.constant 0 : index
    %swap3A_62 = tpu.vector_load %arg27[%swap3A] {strides = array<i32>} : memref<16xf32, #tpu.memory_space<vmem>>, vector<16xf32>,
    tpu.vector_store %arg27[%swap3A], %broadcast_in_dim3A_61 {strides = array<i32>} : memref<16xf32, #tpu.memory_space<vmem>>, vector<16xf32>,
    %scan3A = arith.constant 0 : i32
    %scan3A_63 = arith.constant 0 : i32
    %scan3A_64 = arith.constant 16 : i32
    %scan3A_65 = arith.addi %scan3A_63, %scan3A_64 : i32
    %scan3A_66 = arith.constant 1 : i32
    %scan3A_67 = scf.for %scan3A_75 = %scan3A_63 to %scan3A_65 step %scan3A_66 iter_args(%scan3A_76 = %scan3A) -> (i32)  : i32 {
      %mul3A_77 = arith.constant 32 : i32
      %mul3A_78 = arith.muli %scan3A_75, %mul3A_77 : i32
      %get3A = arith.index_cast %mul3A_78 : i32 to index
      %get3A_79 = tpu.vector_load %arg19[%get3A] {strides = array<i32>} : memref<512xi32, #tpu.memory_space<vmem>>, vector<16xi32>,
      %mul3A_80 = arith.constant 32 : i32
      %mul3A_81 = arith.muli %scan3A_75, %mul3A_80 : i32
      %add3A_82 = arith.constant 16 : i32
      %add3A_83 = arith.addi %mul3A_81, %add3A_82 : i32
      %get3A_84 = arith.index_cast %add3A_83 : i32 to index
      %get3A_85 = tpu.vector_load %arg19[%get3A_84] {strides = array<i32>} : memref<512xi32, #tpu.memory_space<vmem>>, vector<16xi32>,
      %broadcast_in_dim3A_86 = arith.constant true
      %broadcast_in_dim3A_87 = vector.broadcast %broadcast_in_dim3A_86 : i1 to vector<16xi1>
      %masked_cumsum3A = tpu.scan <sum>, %get3A_79 masked %broadcast_in_dim3A_87 : vector<16xi32>, vector<16xi1> -> vector<16xi32>
      %sub3A = arith.subi %masked_cumsum3A, %get3A_79 : vector<16xi32>
      %mul3A_88 = arith.constant 32 : i32
      %mul3A_89 = arith.muli %scan3A_75, %mul3A_88 : i32
      %swap3A_90 = arith.index_cast %mul3A_89 : i32 to index
      %swap3A_91 = tpu.vector_load %arg20[%swap3A_90] {strides = array<i32>} : memref<512xi32, #tpu.memory_space<vmem>>, vector<16xi32>,
      tpu.vector_store %arg20[%swap3A_90], %sub3A {strides = array<i32>} : memref<512xi32, #tpu.memory_space<vmem>>, vector<16xi32>,
      %broadcast_in_dim3A_92 = arith.constant true
      %broadcast_in_dim3A_93 = vector.broadcast %broadcast_in_dim3A_92 : i1 to vector<16xi1>
      %masked_cumsum3A_94 = tpu.scan <sum>, %get3A_85 masked %broadcast_in_dim3A_93 : vector<16xi32>, vector<16xi1> -> vector<16xi32>
      %sub3A_95 = arith.subi %masked_cumsum3A_94, %get3A_85 : vector<16xi32>
      %reduce_sum3A = arith.constant true
      %reduce_sum3A_96 = vector.broadcast %reduce_sum3A : i1 to vector<16xi1>
      %reduce_sum3A_97 = tpu.scan <sum>, %get3A_79 masked %reduce_sum3A_96 : vector<16xi32>, vector<16xi1> -> vector<16xi32>
      %reduce_sum3A_98 = vector.extract %reduce_sum3A_97[15] : i32 from vector<16xi32>
      %add3A_99 = vector.broadcast %reduce_sum3A_98 : i32 to vector<16xi32>
      %add3A_100 = arith.addi %sub3A_95, %add3A_99 : vector<16xi32>
      %mul3A_101 = arith.constant 32 : i32
      %mul3A_102 = arith.muli %scan3A_75, %mul3A_101 : i32
      %add3A_103 = arith.constant 16 : i32
      %add3A_104 = arith.addi %mul3A_102, %add3A_103 : i32
      %swap3A_105 = arith.index_cast %add3A_104 : i32 to index
      %swap3A_106 = tpu.vector_load %arg20[%swap3A_105] {strides = array<i32>} : memref<512xi32, #tpu.memory_space<vmem>>, vector<16xi32>,
      tpu.vector_store %arg20[%swap3A_105], %add3A_100 {strides = array<i32>} : memref<512xi32, #tpu.memory_space<vmem>>, vector<16xi32>,
      %scan3A_107 = arith.constant 0 : i32
      scf.yield %scan3A_107 : i32
    }
    %scan3A_68 = arith.constant 16 : i32
    %scan3A_69 = arith.constant 0 : i32
    %scan3A_70 = arith.constant 0 : i32
    %scan3A_71 = arith.constant 32 : i32
    %scan3A_72 = arith.addi %scan3A_70, %scan3A_71 : i32
    %scan3A_73 = arith.constant 1 : i32
    scf.for %scan3A_75 = %scan3A_70 to %scan3A_72 step %scan3A_73  : i32 {
      %get3A = arith.index_cast %scan3A_75 : i32 to index
      %get3A_76 = tpu.vector_load %arg25[%get3A] {strides = array<i32>} : memref<48xi32, #tpu.memory_space<vmem>>, vector<16xi32>,
      %slice3A = vector.extract_strided_slice %get3A_76 {offsets = [0], sizes = [1], strides = [1]} : vector<16xi32> to vector<1xi32>
      %squeeze3A = vector.extract %slice3A[0] : i32 from vector<1xi32>
      %get3A_77 = arith.index_cast %scan3A_75 : i32 to index
      %get3A_78 = tpu.vector_load %arg21[%get3A_77] {strides = array<i32>} : memref<48xf32, #tpu.memory_space<vmem>>, vector<16xf32>,
      %slice3A_79 = vector.extract_strided_slice %get3A_78 {offsets = [0], sizes = [1], strides = [1]} : vector<16xf32> to vector<1xf32>
      %squeeze3A_80 = vector.extract %slice3A_79[0] : f32 from vector<1xf32>
      %broadcast_in_dim3A_81 = vector.broadcast %squeeze3A_80 : f32 to vector<16xf32>
      %get3A_82 = arith.index_cast %scan3A_75 : i32 to index
      %get3A_83 = tpu.vector_load %arg22[%get3A_82] {strides = array<i32>} : memref<48xf32, #tpu.memory_space<vmem>>, vector<16xf32>,
      %slice3A_84 = vector.extract_strided_slice %get3A_83 {offsets = [0], sizes = [1], strides = [1]} : vector<16xf32> to vector<1xf32>
      %squeeze3A_85 = vector.extract %slice3A_84[0] : f32 from vector<1xf32>
      %broadcast_in_dim3A_86 = vector.broadcast %squeeze3A_85 : f32 to vector<16xf32>
      %get3A_87 = arith.index_cast %scan3A_75 : i32 to index
      %get3A_88 = tpu.vector_load %arg23[%get3A_87] {strides = array<i32>} : memref<48xf32, #tpu.memory_space<vmem>>, vector<16xf32>,
      %slice3A_89 = vector.extract_strided_slice %get3A_88 {offsets = [0], sizes = [1], strides = [1]} : vector<16xf32> to vector<1xf32>
      %squeeze3A_90 = vector.extract %slice3A_89[0] : f32 from vector<1xf32>
      %broadcast_in_dim3A_91 = vector.broadcast %squeeze3A_90 : f32 to vector<16xf32>
      %get3A_92 = arith.index_cast %scan3A_75 : i32 to index
      %get3A_93 = tpu.vector_load %arg24[%get3A_92] {strides = array<i32>} : memref<48xf32, #tpu.memory_space<vmem>>, vector<16xf32>,
      %slice3A_94 = vector.extract_strided_slice %get3A_93 {offsets = [0], sizes = [1], strides = [1]} : vector<16xf32> to vector<1xf32>
      %squeeze3A_95 = vector.extract %slice3A_94[0] : f32 from vector<1xf32>
      %broadcast_in_dim3A_96 = vector.broadcast %squeeze3A_95 : f32 to vector<16xf32>
      %sub3A = arith.subf %broadcast_in_dim3A_91, %broadcast_in_dim3A_81 : vector<16xf32>
      %sub3A_97 = arith.subf %broadcast_in_dim3A_96, %broadcast_in_dim3A_86 : vector<16xf32>
      %mul3A_98 = arith.mulf %sub3A, %sub3A_97 : vector<16xf32>
      %broadcast_in_dim3A_99 = arith.constant -1.000000e+00 : f32
      %broadcast_in_dim3A_100 = vector.broadcast %broadcast_in_dim3A_99 : f32 to vector<16xf32>
      %swap3A_101 = arith.constant 0 : index
      %swap3A_102 = tpu.vector_load %arg26[%swap3A_101] {strides = array<i32>} : memref<16xf32, #tpu.memory_space<vmem>>, vector<16xf32>,
      tpu.vector_store %arg26[%swap3A_101], %broadcast_in_dim3A_100 {strides = array<i32>} : memref<16xf32, #tpu.memory_space<vmem>>, vector<16xf32>,
      %scan3A_103 = arith.constant 0 : i32
      %scan3A_104 = arith.constant 0 : i32
      %scan3A_105 = arith.constant 16 : i32
      %scan3A_106 = arith.addi %scan3A_104, %scan3A_105 : i32
      %scan3A_107 = arith.constant 1 : i32
      %scan3A_108 = scf.for %scan3A_140 = %scan3A_104 to %scan3A_106 step %scan3A_107 iter_args(%scan3A_141 = %scan3A_103) -> (i32)  : i32 {
        %mul3A_142 = arith.constant 1280 : i32
        %mul3A_143 = arith.muli %scan3A_140, %mul3A_142 : i32
        %mul3A_144 = arith.constant 32 : i32
        %mul3A_145 = arith.muli %scan3A_140, %mul3A_144 : i32
        %add3A_146 = arith.addi %mul3A_145, %squeeze3A : i32
        %get3A_147 = arith.index_cast %add3A_146 : i32 to index
        %get3A_148 = tpu.vector_load %arg20[%get3A_147] {strides = array<i32>} : memref<512xi32, #tpu.memory_space<vmem>>, vector<16xi32>,
        %slice3A_149 = vector.extract_strided_slice %get3A_148 {offsets = [0], sizes = [1], strides = [1]} : vector<16xi32> to vector<1xi32>
        %squeeze3A_150 = vector.extract %slice3A_149[0] : i32 from vector<1xi32>
        %add3A_151 = arith.addi %mul3A_143, %squeeze3A_150 : i32
        %mul3A_152 = arith.constant 32 : i32
        %mul3A_153 = arith.muli %scan3A_140, %mul3A_152 : i32
        %add3A_154 = arith.addi %mul3A_153, %squeeze3A : i32
        %get3A_155 = arith.index_cast %add3A_154 : i32 to index
        %get3A_156 = tpu.vector_load %arg19[%get3A_155] {strides = array<i32>} : memref<512xi32, #tpu.memory_space<vmem>>, vector<16xi32>,
        %slice3A_157 = vector.extract_strided_slice %get3A_156 {offsets = [0], sizes = [1], strides = [1]} : vector<16xi32> to vector<1xi32>
        %squeeze3A_158 = vector.extract %slice3A_157[0] : i32 from vector<1xi32>
        %add3A_159 = arith.addi %add3A_151, %squeeze3A_158 : i32
        %shift_right_arithmetic3A = arith.constant 4 : i32
        %shift_right_arithmetic3A_160 = arith.shrsi %add3A_151, %shift_right_arithmetic3A : i32
        %shift_left3A = arith.constant 4 : i32
        %shift_left3A_161 = arith.shli %shift_right_arithmetic3A_160, %shift_left3A : i32
        %add3A_162 = arith.constant 15 : i32
        %add3A_163 = arith.addi %add3A_159, %add3A_162 : i32
        %shift_right_arithmetic3A_164 = arith.constant 4 : i32
        %shift_right_arithmetic3A_165 = arith.shrsi %add3A_163, %shift_right_arithmetic3A_164 : i32
        %shift_right_arithmetic3A_166 = arith.constant 4 : i32
        %shift_right_arithmetic3A_167 = arith.shrsi %add3A_151, %shift_right_arithmetic3A_166 : i32
        %sub3A_168 = arith.subi %shift_right_arithmetic3A_165, %shift_right_arithmetic3A_167 : i32
        %while3A = arith.constant 0 : i32
        %while3A_169 = arith.constant 0 : i32
        %while3A_170 = arith.subi %sub3A_168, %while3A : i32
        %while3A_171 = arith.addi %while3A, %while3A_170 : i32
        %while3A_172 = arith.constant 1 : i32
        %while3A_173 = arith.divsi %while3A_170, %while3A_172 : i32
        %while3A_174 = arith.muli %while3A_173, %while3A_172 : i32
        %while3A_175 = arith.addi %while3A, %while3A_174 : i32
        %while3A_176 = arith.constant 1 : i32
        %while3A_177 = scf.for %while3A_181 = %while3A to %while3A_175 step %while3A_176 iter_args(%while3A_182 = %while3A_169) -> (i32)  : i32 {
          %mul3A_183 = arith.constant 16 : i32
          %mul3A_184 = arith.muli %while3A_181, %mul3A_183 : i32
          %add3A_185 = arith.addi %shift_left3A_161, %mul3A_184 : i32
          %multiple_of3A = tpu.assume_multiple %add3A_185, 16 : i32
          %get3A_186 = arith.index_cast %multiple_of3A : i32 to index
          %get3A_187 = tpu.vector_load %arg18[%get3A_186] {strides = array<i32>} : memref<20480xi32, #tpu.memory_space<vmem>>, vector<16xi32>,
          %gather3A = tpu.vector_load_idx %arg14[%get3A_187] : memref<20480xf32, #tpu.memory_space<vmem>>[vector<16xi32>], vector<16xf32>,
          %gather3A_188 = tpu.vector_load_idx %arg15[%get3A_187] : memref<20480xf32, #tpu.memory_space<vmem>>[vector<16xi32>], vector<16xf32>,
          %gather3A_189 = tpu.vector_load_idx %arg16[%get3A_187] : memref<20480xf32, #tpu.memory_space<vmem>>[vector<16xi32>], vector<16xf32>,
          %gather3A_190 = tpu.vector_load_idx %arg17[%get3A_187] : memref<20480xf32, #tpu.memory_space<vmem>>[vector<16xi32>], vector<16xf32>,
          %sub3A_191 = arith.subf %gather3A_189, %gather3A : vector<16xf32>
          %sub3A_192 = arith.subf %gather3A_190, %gather3A_188 : vector<16xf32>
          %mul3A_193 = arith.mulf %sub3A_191, %sub3A_192 : vector<16xf32>
          %max3A = arith.maximumf %gather3A, %broadcast_in_dim3A_81 : vector<16xf32>
          %max3A_194 = arith.maximumf %gather3A_188, %broadcast_in_dim3A_86 : vector<16xf32>
          %min3A = arith.minimumf %gather3A_189, %broadcast_in_dim3A_91 : vector<16xf32>
          %min3A_195 = arith.minimumf %gather3A_190, %broadcast_in_dim3A_96 : vector<16xf32>
          %sub3A_196 = arith.subf %min3A, %max3A : vector<16xf32>
          %max3A_197 = arith.constant 0.000000e+00 : f32
          %max3A_198 = vector.broadcast %max3A_197 : f32 to vector<16xf32>
          %max3A_199 = arith.maximumf %sub3A_196, %max3A_198 : vector<16xf32>
          %sub3A_200 = arith.subf %min3A_195, %max3A_194 : vector<16xf32>
          %max3A_201 = arith.constant 0.000000e+00 : f32
          %max3A_202 = vector.broadcast %max3A_201 : f32 to vector<16xf32>
          %max3A_203 = arith.maximumf %sub3A_200, %max3A_202 : vector<16xf32>
          %mul3A_204 = arith.mulf %max3A_199, %max3A_203 : vector<16xf32>
          %add3A_205 = arith.addf %mul3A_98, %mul3A_193 : vector<16xf32>
          %sub3A_206 = arith.subf %add3A_205, %mul3A_204 : vector<16xf32>
          %div3A = arith.divf %mul3A_204, %sub3A_206 : vector<16xf32>
          %add3A_207 = vector.broadcast %multiple_of3A : i32 to vector<16xi32>
          %add3A_208 = arith.addi %add3A_207, %iota3A : vector<16xi32>
          %ge3A_209 = vector.broadcast %add3A_151 : i32 to vector<16xi32>
          %ge3A_210 = arith.cmpi sge, %add3A_208, %ge3A_209 : vector<16xi32>
          %lt3A = vector.broadcast %add3A_159 : i32 to vector<16xi32>
          %lt3A_211 = arith.cmpi slt, %add3A_208, %lt3A : vector<16xi32>
          %and3A = arith.andi %ge3A_210, %lt3A_211 : vector<16xi1>
          %get3A_212 = arith.constant 0 : index
          %get3A_213 = tpu.vector_load %arg26[%get3A_212] {strides = array<i32>} : memref<16xf32, #tpu.memory_space<vmem>>, vector<16xf32>,
          %jit3A_214 = arith.constant -1.000000e+00 : f32
          %broadcast_in_dim3A_215 = vector.broadcast %jit3A_214 : f32 to vector<16xf32>
          %select_n3A_216 = arith.select %and3A, %div3A, %broadcast_in_dim3A_215 : vector<16xi1>, vector<16xf32>
          %max3A_217 = arith.maximumf %get3A_213, %select_n3A_216 : vector<16xf32>
          %swap3A_218 = arith.constant 0 : index
          %swap3A_219 = tpu.vector_load %arg26[%swap3A_218] {strides = array<i32>} : memref<16xf32, #tpu.memory_space<vmem>>, vector<16xf32>,
          tpu.vector_store %arg26[%swap3A_218], %max3A_217 {strides = array<i32>} : memref<16xf32, #tpu.memory_space<vmem>>, vector<16xf32>,
          %while3A_220 = arith.constant 0 : i32
          scf.yield %while3A_220 : i32
        }
        %while3A_178 = arith.constant 1 : i32
        %while3A_179 = scf.for %while3A_181 = %while3A_175 to %while3A_171 step %while3A_178 iter_args(%while3A_182 = %while3A_177) -> (i32)  : i32 {
          %mul3A_183 = arith.constant 16 : i32
          %mul3A_184 = arith.muli %while3A_181, %mul3A_183 : i32
          %add3A_185 = arith.addi %shift_left3A_161, %mul3A_184 : i32
          %multiple_of3A = tpu.assume_multiple %add3A_185, 16 : i32
          %get3A_186 = arith.index_cast %multiple_of3A : i32 to index
          %get3A_187 = tpu.vector_load %arg18[%get3A_186] {strides = array<i32>} : memref<20480xi32, #tpu.memory_space<vmem>>, vector<16xi32>,
          %gather3A = tpu.vector_load_idx %arg14[%get3A_187] : memref<20480xf32, #tpu.memory_space<vmem>>[vector<16xi32>], vector<16xf32>,
          %gather3A_188 = tpu.vector_load_idx %arg15[%get3A_187] : memref<20480xf32, #tpu.memory_space<vmem>>[vector<16xi32>], vector<16xf32>,
          %gather3A_189 = tpu.vector_load_idx %arg16[%get3A_187] : memref<20480xf32, #tpu.memory_space<vmem>>[vector<16xi32>], vector<16xf32>,
          %gather3A_190 = tpu.vector_load_idx %arg17[%get3A_187] : memref<20480xf32, #tpu.memory_space<vmem>>[vector<16xi32>], vector<16xf32>,
          %sub3A_191 = arith.subf %gather3A_189, %gather3A : vector<16xf32>
          %sub3A_192 = arith.subf %gather3A_190, %gather3A_188 : vector<16xf32>
          %mul3A_193 = arith.mulf %sub3A_191, %sub3A_192 : vector<16xf32>
          %max3A = arith.maximumf %gather3A, %broadcast_in_dim3A_81 : vector<16xf32>
          %max3A_194 = arith.maximumf %gather3A_188, %broadcast_in_dim3A_86 : vector<16xf32>
          %min3A = arith.minimumf %gather3A_189, %broadcast_in_dim3A_91 : vector<16xf32>
          %min3A_195 = arith.minimumf %gather3A_190, %broadcast_in_dim3A_96 : vector<16xf32>
          %sub3A_196 = arith.subf %min3A, %max3A : vector<16xf32>
          %max3A_197 = arith.constant 0.000000e+00 : f32
          %max3A_198 = vector.broadcast %max3A_197 : f32 to vector<16xf32>
          %max3A_199 = arith.maximumf %sub3A_196, %max3A_198 : vector<16xf32>
          %sub3A_200 = arith.subf %min3A_195, %max3A_194 : vector<16xf32>
          %max3A_201 = arith.constant 0.000000e+00 : f32
          %max3A_202 = vector.broadcast %max3A_201 : f32 to vector<16xf32>
          %max3A_203 = arith.maximumf %sub3A_200, %max3A_202 : vector<16xf32>
          %mul3A_204 = arith.mulf %max3A_199, %max3A_203 : vector<16xf32>
          %add3A_205 = arith.addf %mul3A_98, %mul3A_193 : vector<16xf32>
          %sub3A_206 = arith.subf %add3A_205, %mul3A_204 : vector<16xf32>
          %div3A = arith.divf %mul3A_204, %sub3A_206 : vector<16xf32>
          %add3A_207 = vector.broadcast %multiple_of3A : i32 to vector<16xi32>
          %add3A_208 = arith.addi %add3A_207, %iota3A : vector<16xi32>
          %ge3A_209 = vector.broadcast %add3A_151 : i32 to vector<16xi32>
          %ge3A_210 = arith.cmpi sge, %add3A_208, %ge3A_209 : vector<16xi32>
          %lt3A = vector.broadcast %add3A_159 : i32 to vector<16xi32>
          %lt3A_211 = arith.cmpi slt, %add3A_208, %lt3A : vector<16xi32>
          %and3A = arith.andi %ge3A_210, %lt3A_211 : vector<16xi1>
          %get3A_212 = arith.constant 0 : index
          %get3A_213 = tpu.vector_load %arg26[%get3A_212] {strides = array<i32>} : memref<16xf32, #tpu.memory_space<vmem>>, vector<16xf32>,
          %jit3A_214 = arith.constant -1.000000e+00 : f32
          %broadcast_in_dim3A_215 = vector.broadcast %jit3A_214 : f32 to vector<16xf32>
          %select_n3A_216 = arith.select %and3A, %div3A, %broadcast_in_dim3A_215 : vector<16xi1>, vector<16xf32>
          %max3A_217 = arith.maximumf %get3A_213, %select_n3A_216 : vector<16xf32>
          %swap3A_218 = arith.constant 0 : index
          %swap3A_219 = tpu.vector_load %arg26[%swap3A_218] {strides = array<i32>} : memref<16xf32, #tpu.memory_space<vmem>>, vector<16xf32>,
          tpu.vector_store %arg26[%swap3A_218], %max3A_217 {strides = array<i32>} : memref<16xf32, #tpu.memory_space<vmem>>, vector<16xf32>,
          %while3A_220 = arith.constant 0 : i32
          scf.yield %while3A_220 : i32
        }
        %scan3A_180 = arith.constant 0 : i32
        scf.yield %scan3A_180 : i32
      }
      %scan3A_109 = arith.constant 16 : i32
      %get3A_110 = arith.constant 0 : index
      %get3A_111 = tpu.vector_load %arg26[%get3A_110] {strides = array<i32>} : memref<16xf32, #tpu.memory_space<vmem>>, vector<16xf32>,
      %reduce_max3A = arith.constant true
      %reduce_max3A_112 = vector.broadcast %reduce_max3A : i1 to vector<16xi1>
      %reduce_max3A_113 = tpu.scan <max>, %get3A_111 masked %reduce_max3A_112 : vector<16xf32>, vector<16xi1> -> vector<16xf32>
      %reduce_max3A_114 = vector.extract %reduce_max3A_113[15] : f32 from vector<16xf32>
      %ge3A = arith.constant 0.000000e+00 : f32
      %ge3A_115 = arith.cmpf oge, %reduce_max3A_114, %ge3A : f32
      %sub3A_116 = arith.constant 1.000000e+00 : f32
      %sub3A_117 = arith.subf %sub3A_116, %reduce_max3A_114 : f32
      %jit3A = arith.constant 0.000000e+00 : f32
      %select_n3A = arith.select %ge3A_115, %sub3A_117, %jit3A : f32
      %jit3A_118 = arith.constant 1.000000e+00 : f32
      %jit3A_119 = arith.constant 0.000000e+00 : f32
      %select_n3A_120 = arith.select %ge3A_115, %jit3A_118, %jit3A_119 : f32
      %get3A_121 = arith.constant 0 : index
      %get3A_122 = tpu.vector_load %arg27[%get3A_121] {strides = array<i32>} : memref<16xf32, #tpu.memory_space<vmem>>, vector<16xf32>,
      %eq3A = arith.constant 0.000000e+00 : f32
      %eq3A_123 = vector.broadcast %eq3A : f32 to vector<16xf32>
      %eq3A_124 = arith.cmpf oeq, %convert_element_type3A, %eq3A_123 : vector<16xf32>
      %jit3A_125 = arith.constant 0.000000e+00 : f32
      %broadcast_in_dim3A_126 = vector.broadcast %select_n3A : f32 to vector<16xf32>
      %broadcast_in_dim3A_127 = vector.broadcast %jit3A_125 : f32 to vector<16xf32>
      %select_n3A_128 = arith.select %eq3A_124, %broadcast_in_dim3A_126, %broadcast_in_dim3A_127 : vector<16xi1>, vector<16xf32>
      %add3A_129 = arith.addf %get3A_122, %select_n3A_128 : vector<16xf32>
      %eq3A_130 = arith.constant 1.000000e+00 : f32
      %eq3A_131 = vector.broadcast %eq3A_130 : f32 to vector<16xf32>
      %eq3A_132 = arith.cmpf oeq, %convert_element_type3A, %eq3A_131 : vector<16xf32>
      %jit3A_133 = arith.constant 0.000000e+00 : f32
      %broadcast_in_dim3A_134 = vector.broadcast %select_n3A_120 : f32 to vector<16xf32>
      %broadcast_in_dim3A_135 = vector.broadcast %jit3A_133 : f32 to vector<16xf32>
      %select_n3A_136 = arith.select %eq3A_132, %broadcast_in_dim3A_134, %broadcast_in_dim3A_135 : vector<16xi1>, vector<16xf32>
      %add3A_137 = arith.addf %add3A_129, %select_n3A_136 : vector<16xf32>
      %swap3A_138 = arith.constant 0 : index
      %swap3A_139 = tpu.vector_load %arg27[%swap3A_138] {strides = array<i32>} : memref<16xf32, #tpu.memory_space<vmem>>, vector<16xf32>,
      tpu.vector_store %arg27[%swap3A_138], %add3A_137 {strides = array<i32>} : memref<16xf32, #tpu.memory_space<vmem>>, vector<16xf32>,
    }
    %scan3A_74 = arith.constant 32 : i32
    "tpu.region"() ({
      %run_scoped3A = tpu.sem_alloc : memref<!tpu.dma_semaphore, #tpu.memory_space<semaphore_mem>>
      %dma_start3A_75 = arith.constant 0 : i32
      %dma_start3A_76 = tpu.memref_slice %arg13[%add3A, %dma_start3A_75] : memref<32x16xf32, #tpu.memory_space<hbm>> -> memref<1x16xf32, #tpu.memory_space<hbm>>
      %dma_start3A_77 = tpu.memref_squeeze %dma_start3A_76 : memref<1x16xf32, #tpu.memory_space<hbm>> -> memref<16xf32, #tpu.memory_space<hbm>>
      %dma_start3A_78 = arith.constant 0 : i32
      %dma_start3A_79 = tpu.memref_slice %arg13[%add3A, %dma_start3A_78] : memref<32x16xf32, #tpu.memory_space<hbm>> -> memref<1x16xf32, #tpu.memory_space<hbm>>
      %dma_start3A_80 = tpu.memref_squeeze %dma_start3A_79 : memref<1x16xf32, #tpu.memory_space<hbm>> -> memref<16xf32, #tpu.memory_space<hbm>>
      tpu.enqueue_dma source(%arg27 : memref<16xf32, #tpu.memory_space<vmem>>) target(%dma_start3A_80 : memref<16xf32, #tpu.memory_space<hbm>>) target_semaphore(%run_scoped3A : memref<!tpu.dma_semaphore, #tpu.memory_space<semaphore_mem>>)
      %dma_wait3A_81 = arith.constant 0 : i32
      %dma_wait3A_82 = tpu.memref_slice %arg13[%add3A, %dma_wait3A_81] : memref<32x16xf32, #tpu.memory_space<hbm>> -> memref<1x16xf32, #tpu.memory_space<hbm>>
      %dma_wait3A_83 = tpu.memref_squeeze %dma_wait3A_82 : memref<1x16xf32, #tpu.memory_space<hbm>> -> memref<16xf32, #tpu.memory_space<hbm>>
      %dma_wait3A_84 = arith.constant 0 : i32
      %dma_wait3A_85 = tpu.memref_slice %arg13[%add3A, %dma_wait3A_84] : memref<32x16xf32, #tpu.memory_space<hbm>> -> memref<1x16xf32, #tpu.memory_space<hbm>>
      %dma_wait3A_86 = tpu.memref_squeeze %dma_wait3A_85 : memref<1x16xf32, #tpu.memory_space<hbm>> -> memref<16xf32, #tpu.memory_space<hbm>>
      tpu.wait_dma2 semaphore(%run_scoped3A : memref<!tpu.dma_semaphore, #tpu.memory_space<semaphore_mem>>) src(%arg27 : memref<16xf32, #tpu.memory_space<vmem>>) dst(%dma_wait3A_86 : memref<16xf32, #tpu.memory_space<hbm>>)
      tpu.yield
    }) : () -> ()
    return
  }
}

module attributes {stable_mosaic.version = 14 : i64} {
  func.func @_k3_reduce(%arg0: memref<32x16xf32, #tpu.memory_space<vmem>>, %arg1: memref<1x1xf32, #tpu.memory_space<vmem>>) attributes {dimension_semantics = [], scalar_prefetch = 0 : i64, scratch_operands = 0 : i64, tpu.core_type = #tpu.core_type<tc>} {
    %get3A = arith.constant 0 : index
    %get3A_0 = arith.constant 0 : index
    %get3A_1 = vector.load %arg0[%get3A, %get3A_0] : memref<32x16xf32, #tpu.memory_space<vmem>>, vector<32x16xf32>
    %slice3A = vector.extract_strided_slice %get3A_1 {offsets = [0, 0], sizes = [32, 1], strides = [1, 1]} : vector<32x16xf32> to vector<32x1xf32>
    %reduce_sum3A = vector.shape_cast %slice3A : vector<32x1xf32> to vector<1x32x1xf32>
    %reduce_sum3A_2 = arith.constant dense<0.000000e+00> : vector<1xf32>
    %reduce_sum3A_3 = vector.multi_reduction <add>, %reduce_sum3A, %reduce_sum3A_2 [1, 2] : vector<1x32x1xf32> to vector<1xf32>
    %reduce_sum3A_4 = vector.shape_cast %reduce_sum3A_3 : vector<1xf32> to vector<1x1x1xf32>
    %reduce_sum3A_5 = vector.extract %reduce_sum3A_4[0, 0, 0] : f32 from vector<1x1x1xf32>
    %broadcast_in_dim3A = vector.broadcast %reduce_sum3A_5 : f32 to vector<1x1xf32>
    %slice3A_6 = vector.extract_strided_slice %get3A_1 {offsets = [0, 1], sizes = [32, 1], strides = [1, 1]} : vector<32x16xf32> to vector<32x1xf32>
    %reduce_sum3A_7 = vector.shape_cast %slice3A_6 : vector<32x1xf32> to vector<1x32x1xf32>
    %reduce_sum3A_8 = arith.constant dense<0.000000e+00> : vector<1xf32>
    %reduce_sum3A_9 = vector.multi_reduction <add>, %reduce_sum3A_7, %reduce_sum3A_8 [1, 2] : vector<1x32x1xf32> to vector<1xf32>
    %reduce_sum3A_10 = vector.shape_cast %reduce_sum3A_9 : vector<1xf32> to vector<1x1x1xf32>
    %reduce_sum3A_11 = vector.extract %reduce_sum3A_10[0, 0, 0] : f32 from vector<1x1x1xf32>
    %broadcast_in_dim3A_12 = vector.broadcast %reduce_sum3A_11 : f32 to vector<1x1xf32>
    %div3A = arith.divf %broadcast_in_dim3A, %broadcast_in_dim3A_12 : vector<1x1xf32>
    %swap3A = arith.constant 0 : index
    %swap3A_13 = arith.constant 0 : index
    %swap3A_14 = vector.load %arg1[%swap3A, %swap3A_13] : memref<1x1xf32, #tpu.memory_space<vmem>>, vector<1x1xf32>
    tpu.vector_store %arg1[%swap3A, %swap3A_13], %div3A {strides = array<i32>} : memref<1x1xf32, #tpu.memory_space<vmem>>, vector<1x1xf32>,
    return
  }
}

</mosaic_0001>

<sc_bundles>
// kernel: kernel.5.cloned.1.call-start
scs
__scs_entry_jumppad:
0x0: {  	(pc) =	sbr.rel $0x88, $3  }
0x1: {  	(tag) =	ssettag $0x0;
	lr =	simm.s32 $0x1  }
0x2: {  	[smem:$0x3F9D] =	sst lr;
	_ =	strace $0xD0000000  }
0x3: {  	_ = 	snop  }
0x4: {  	_ = 	snop  }
0x5: {  	_ = 	snop  }
0x6: {  	_ = 	snop  }
0x7: {  	_ = 	snop  }
__scs_overlays_trampoline_lowered:
0x8: {  	[smem:$0x3FAC] =	sst s0  }
0x9: {  	[smem:$0x3FAD] =	sst s1  }
0xa: {  	[smem:$0x3FAE] =	sst s2  }
0xb: {  	[smem:$0x3FAF] =	sst s3  }
0xc: {  	[smem:$0x3FB0] =	sst s4  }
0xd: {  	[smem:$0x3FB1] =	sst s5  }
0xe: {  	[smem:$0x3FB2] =	sst s6  }
0xf: {  	[smem:$0x3FB3] =	sst s7  }
0x10: {  	[smem:$0x3FB4] =	sst s8  }
0x11: {  	[smem:$0x3FB5] =	sst s9;
	s0 =	simm.s32 @!p0 $0x0  }
0x12: {  	s1 =	sld [smem:$0x3F9B];
	s0 =	simm.s32 @p0 $0x1  }
0x13: {  	[smem:$0x3FB6] =	sst s0;
	s0 =	simm.s32 @!p1 $0x0  }
0x14: {  	s2 =	sld [smem:$0x3F9A];
	s0 =	simm.s32 @p1 $0x1  }
0x15: {  	[smem:$0x3FB7] =	sst s0;
	s0 =	simm.s32 @!p2 $0x0  }
0x16: {  	s3 =	sld [smem:$0x3FDB];
	s0 =	simm.s32 @p2 $0x1  }
0x17: {  	s4 =	simm.s32 $0x1BF5;
	[smem:$0x3FB9] =	sst s0  }
0x18: {  	s0 =	sld [smem:$0x3F9C];
	_ =	swait.ge [sflag:s4], $0x0  }
0x19: {  	s7 =	sld [smem:$0x3F9D]  }
0x1a: {  	s8 =	sadd.s32 $0xFFFFE003, lr  }
0x1b: {  	s9 =	sadd.s32 $0xFFFFFEF7, lr;
	s5 =	simm.s32 $0xFFFFFFFF;
	p2 =	slt.u32 s8, $0xFFFFF086  }
0x1c: {  	p1 =	slt.u32 s9, $0xF7A;
	s5 =	simm.s32 @!p2 $0x0  }
0x1d: {  	s5 =	simm.s32 @p1 $0x1;
	p0 =	seq.s32 s7, s2  }
0x1e: {  	s7 =	smul.u32 @!p0 $0xF7A, s2;
	p2 =	seq.s32 @!p0 s5, $0x0  }
0x1f: {  	s9 =	smul.u32 $0xF7A, s1;
	s8 =	simm.s32 @!p0 $0x1BF5;
	p2 =	por !p2, p0  }
0x20: {  	[sflag:s8] =	ssyncset.s32 @!p0 $0xFFFFF086;
	s6 =	sadd.s32 @!p0 s3, s7;
	s7 =	simm.s32 @!p0 $0x108  }
0x21: {  	s3 =	sadd.s32 s3, s9;
	s6 =	sadd.s32 @!p0 $0x88, s6;
	s7 =	simm.s32 @p2 $0x1082  }
0x22: {  	[simem:s7], [sflag:s8] =	dma.local @!p0 [hbm:s6], $0xF7A  }
0x23: {  	s9 =	sor.u32 $0xD0000000, s2;
	s6 =	simm.s32 $0x108;
	_ =	swait.ge @!p0 [sflag:s8], $0x0  }
0x24: {  	s3 =	sadd.s32 $0x88, s3;
	s6 =	simm.s32 @!p1 $0x1082;
	[sflag:s4] =	ssyncset.s32 $0xFFFFF086  }
0x25: {  	[simem:s6], [sflag:s4] =	dma.local [hbm:s3], $0xF7A  }
0x26: {  	[smem:$0x3F9D] =	sst s1;
	(tag) =	ssettag s2;
	_ =	strace s9  }
0x27: {  	s1 =	sld [smem:$0x3FAD]  }
0x28: {  	s2 =	sld [smem:$0x3FAE]  }
0x29: {  	s4 =	sld [smem:$0x3FB0]  }
0x2a: {  	p0 =	seq.s32 s5, $0x0;
	s5 =	sld [smem:$0x3FB1]  }
0x2b: {  	s6 =	sld [smem:$0x3FB2]  }
0x2c: {  	s7 =	sld [smem:$0x3FB3]  }
0x2d: {  	s3 =	simm.s32 $0x108;
	s8 =	sld [smem:$0x3FB4]  }
0x2e: {  	s3 =	simm.s32 @!p0 $0x1082;
	s9 =	sld [smem:$0x3FB5]  }
0x2f: {  	lr =	sadd.s32 s0, s3;
	s0 =	sld [smem:$0x3FAC]  }
0x30: {  	s3 =	sld [smem:$0x3FAF]  }
0x31: {  	[smem:$0x3FB8] =	sst s10  }
0x32: {  	s10 =	sld [smem:$0x3FB6];
	_ =	sdelay $0x3  }
0x33: {  	p0 =	seq.s32 s10, $0x1;
	s10 =	sld [smem:$0x3FB8];
	_ =	sdelay $0x3  }
0x34: {  	[smem:$0x3FB8] =	sst s10  }
0x35: {  	s10 =	sld [smem:$0x3FB7];
	_ =	sdelay $0x3  }
0x36: {  	p1 =	seq.s32 s10, $0x1;
	s10 =	sld [smem:$0x3FB8];
	_ =	sdelay $0x3  }
0x37: {  	[smem:$0x3FB8] =	sst s10  }
0x38: {  	s10 =	sld [smem:$0x3FB9]  }
0x39: {  	_ = 	snop;
	(pc) =	sbr.ind lr, $3  }
0x3a: {  	_ = 	snop  }
0x3b: {  	_ = 	snop  }
0x3c: {  	p2 =	seq.s32 s10, $0x1;
	s10 =	sld [smem:$0x3FB8]  }
0x3d: {  	_ =	shalt  }
0x3e: {  	_ =	shalt  }
0x3f: {  	_ =	shalt  }
0x40: {  	_ =	shalt  }
0x41: {  	_ =	shalt  }
0x42: {  	_ =	shalt  }
0x43: {  	_ =	shalt  }
0x44: {  	_ =	shalt  }
0x45: {  	_ =	shalt  }
0x46: {  	_ =	shalt  }
0x47: {  	_ =	shalt  }
0x48: {  	_ =	shalt  }
0x49: {  	_ =	shalt  }
0x4a: {  	_ =	shalt  }
0x4b: {  	_ =	shalt  }
0x4c: {  	_ =	shalt  }
0x4d: {  	_ =	shalt  }
0x4e: {  	_ =	shalt  }
0x4f: {  	_ =	shalt  }
0x50: {  	_ =	shalt  }
0x51: {  	_ =	shalt  }
0x52: {  	_ =	shalt  }
0x53: {  	_ =	shalt  }
0x54: {  	_ =	shalt  }
0x55: {  	_ =	shalt  }
0x56: {  	_ =	shalt  }
0x57: {  	_ =	shalt  }
0x58: {  	_ =	shalt  }
0x59: {  	_ =	shalt  }
0x5a: {  	_ =	shalt  }
0x5b: {  	_ =	shalt  }
0x5c: {  	_ =	shalt  }
0x5d: {  	_ =	shalt  }
0x5e: {  	_ =	shalt  }
0x5f: {  	_ =	shalt  }
0x60: {  	_ =	shalt  }
0x61: {  	_ =	shalt  }
0x62: {  	_ =	shalt  }
0x63: {  	_ =	shalt  }
0x64: {  	_ =	shalt  }
0x65: {  	_ =	shalt  }
0x66: {  	_ =	shalt  }
0x67: {  	_ =	shalt  }
0x68: {  	_ =	shalt  }
0x69: {  	_ =	shalt  }
0x6a: {  	_ =	shalt  }
0x6b: {  	_ =	shalt  }
0x6c: {  	_ =	shalt  }
0x6d: {  	_ =	shalt  }
0x6e: {  	_ =	shalt  }
0x6f: {  	_ =	shalt  }
0x70: {  	_ =	shalt  }
0x71: {  	_ =	shalt  }
0x72: {  	_ =	shalt  }
0x73: {  	_ =	shalt  }
0x74: {  	_ =	shalt  }
0x75: {  	_ =	shalt  }
0x76: {  	_ =	shalt  }
0x77: {  	_ =	shalt  }
0x78: {  	_ =	shalt  }
0x79: {  	_ =	shalt  }
0x7a: {  	_ =	shalt  }
0x7b: {  	_ =	shalt  }
0x7c: {  	_ =	shalt  }
0x7d: {  	_ =	shalt  }
0x7e: {  	_ =	shalt  }
0x7f: {  	_ =	shalt  }
0x80: {  	_ =	shalt  }
0x81: {  	_ =	shalt  }
0x82: {  	_ =	shalt  }
0x83: {  	_ =	shalt  }
0x84: {  	_ =	shalt  }
0x85: {  	_ =	shalt  }
0x86: {  	_ =	shalt  }
0x87: {  	_ =	shalt  }
.Lfunc_end0:
.L_simem_size_0:
called_computation_lowered:
.L_overlay_start_0:
0x88: {  	s0 =	sld [smem:$0x3FD9]  }
0x89: {  	s1 =	sld [smem:$0x3FFE];
	_ =	sdelay $0x3  }
0x8a: {  	s0 =	sadd.s32 s1, s0  }
0x8b: {  	[smem:$0x3FC4] =	sst s0  }
0x8c: {  	_ = 	snop  }
0x8d: {  	(tm) =	ssettm $0x1  }
0x8e: {  	s15 =	sld [smem:$0x3FFB];
	_ =	sdelay $0x3  }
0x8f: {  	_ =	strace s15  }
0x90: {  	s0 =	sld [smem:$0x3FFC];
	_ =	sdelay $0x3  }
0x91: {  	_ =	strace s0  }
0x92: {  	s0 =	sld [smem:$0x3FFD];
	_ =	sdelay $0x3  }
0x93: {  	_ =	strace s0  }
0x94: {  	_ =	strace $0x8FFFFFFF  }
0x95: {  	s16 =	sld [smem:$0x3FDB];
	_ =	sdelay $0x1  }
0x96: {  	s17 =	simm.s32 $_scs_section_size  }
0x97: {  	s2 =	simm.s32 $_size__tile_overlayer_lowered;
	s3 =	simm.s32 $_tile_overlayer_lowered  }
0x98: {  	s20 =	simm.s32 $0x1BFF;
	s19 =	sshll.u32 s3, $0x1;
	s0 =	sadd.s32 s17, s16  }
0x99: {  	s4 =	simm.s32 $0x0;
	s18 =	sshll.u32 s2, $0x1;
	s2 =	sadd.s32 s19, s0  }
0x9a: {  	[timem:s4], [sflag:s20] =	dma.local [hbm:s2], s18  }
0x9b: {  	_ =	swait.ge [sflag:s20], s18  }
0x9c: {  	s1 =	ssub.s32 $0x0, s18;
	[sflag:s20] =	ssyncset.done $0x0  }
0x9d: {  	[sflag:s20] =	ssyncadd.s32 s1;
	_ =	sdelay $0x1  }
0x9e: {  	s21 =	simm.s32 $0x1B8B  }
0x9f: {  	_ =	swait.ge [sflag:s21], $0x1  }
0xa0: {  	[sflag:s21] =	ssyncset.done $0x0  }
0xa1: {  	s23 =	simm.s32 $0x1B8E;
	s22 =	sld [smem:$0x3FFE];
	[sflag:s21] =	ssyncadd.s32 $0xFFFFFFFF  }
0xa2: {  	s24 =	simm.s32 $execute0_lowered;
	[smem:$0x3FD2] =	sst s23  }
0xa3: {  	s2 =	sshll.u32 s24, $0x1;
	_ =	strace $0x80000046;
	[dreg:$0x1] =	wrdreg $0xFFFFFFFF  }
0xa4: {  	s25 =	simm.s32 $_size_execute0_lowered;
	s0 =	sadd.s32 s0, s2;
	[dreg:$0x0] =	wrdreg $0x0  }
0xa5: {  	s2 =	sshll.u32 s25, $0x1;
	[dreg:$0x2] =	wrdreg s0  }
0xa6: {  	[dreg:$0x3] =	wrdreg s2  }
0xa7: {  	[dreg:$0x4] =	wrdreg $0xC0  }
0xa8: {  	_ =	task [dreg:s4], $0x5FFFF  }
0xa9: {  	[dreg:$0x1] =	wrdreg $0xFFFFFFFF  }
0xaa: {  	[dreg:$0x0] =	wrdreg $0x60  }
0xab: {  	[dreg:$0x2] =	wrdreg s22  }
0xac: {  	[dreg:$0x3] =	wrdreg $0x9  }
0xad: {  	_ =	task.clear_ibuf [dreg:s4], $0x4FFFF;
	_ =	strace $0x90000046  }
0xae: {  	s26 =	simm.s32 $0x9;
	_ =	strace $0x80000048  }
0xaf: {  	_ =	swait.ge [sflag:s26], $0x1  }
0xb0: {  	[sflag:s26] =	ssyncadd.s32 $0xFFFFFFFF  }
0xb1: {  	_ =	strace $0x90000048  }
0xb2: {  	_ =	sfence  }
0xb3: {  	s28 =	sld [smem:$0x0];
	_ =	sdelay $0x1  }
0xb4: {  	s29 =	srdreg.scid  }
0xb5: {  	s30 =	sshll.u32 s29, $0xD;
	s31 =	sshrl.u32 s29, $0x2  }
0xb6: {  	s1 =	sand.u32 $0x1, s29;
	s2 =	sand.u32 $0x4000, s30;
	s0 =	sadd.s32 s31, s28  }
0xb7: {  	s1 =	sor.u32 s2, s1;
	s0 =	sshll.u32 s0, $0x11  }
0xb8: {  	s0 =	sor.u32 s0, s1  }
0xb9: {  	s0 =	sadd.s32 $0x8F2B, s0  }
0xba: {  	[sflag:s0] =	ssyncadd.remote.s32 $0x1  }
0xbb: {  	_ =	sfence.sel $0xFFFF  }
0xbc: {  	[dreg:$0x0] =	wrdreg $0xFFFFFFFF;
	(pc) =	sbr.abs _section_cstart, $3  }
0xbd: {  	[dreg:$0x1] =	wrdreg $0xFFFFFFFF  }
0xbe: {  	_ =	task.clear_ibuf [dreg:s4], $0x2FFFF;
	_ =	strace $0x9FFFFFFF  }
0xbf: {  	(tm) =	ssettm $0x7FFFFFFF  }
tec
execute0_lowered:
.L_overlay_start_1:
0x0: {  	(tag) =	ssettag $0x1  }
0x1: {  	s0 =	stileid.u32  }
0x2: {  	s3 =	rddreg [dreg:$0x0];
	s5 =	smul.u32 $0x500, s0  }
0x3: {  	s1 =	rddreg [dreg:$0x1];
	s4 =	simm.s32 $0x0  }
0x4: {  	[smem:$0x7FF] =	sst s4;
	s2 =	sshrl.u32 s5, $0x3  }
0x5: {  	s31 =	simm.s32 $0x2;
	_ =	strace $0x80000047;
	s6 =	sadd.s32 s3, s2  }
0x6: {  	[tilespmem:s4], [sflag:$0x2] =	stream.linear.gather [hbm4b:s6+s4], $0x500, $0x38;
	[tilespmem:$0xB00] =	vst v63  }
0x7: {  	_ =	swait.ge [sflag:s31], $0x500  }
0x8: {  	[sflag:s31] =	ssyncset.done $0x0  }
0x9: {  	v0 =	vimm.s32 $0x0;
	[sflag:s31] =	ssyncadd.s32 $0xFFFFFB00  }
0xa: {  	s8 =	simm.s32 $0x0;
	s7 =	simm.s32 $0x40;
	[tilespmem:$0xA00] =	vst v0  }
0xb: {  	s4 =	sadd.s32 $0xA00, s3;
	s3 =	sadd.s32 $0x1400, s3;
	s6 =	simm.s32 $0xA00;
	[tilespmem:$0xA10] =	vst v0  }
.LBB2_1:
0xc: {  	p0 =	sne.s32 s7, $0x13C0;
	v0 =	vld [tilespmem:s8+$0x0];
	_ =	sdelay $0x4  }
0xd: {  	(xrf1) =	vunique.msk.u32 $0xffff, v0;
	_ =	sdelay $0xc  }
0xe: {  	v1 =	vld.idx.msk [tilespmem:v0+s6+$0x0], $0xffff  }
0xf: {  	_, v2, vm0 =	vpop (xrf1);
	_ =	sdelay $0x1  }
.Ltmp0:
0x10: {  	(pc) =	sbr.rel @p0 .LBB2_1-.Ltmp0, $3  }
0x11: {  	_ =	sdelay $0x1  }
0x12: {  	v1 =	vadd.s32 v1, v2  }
0x13: {  	s8 =	sshra.s32 s7, $0x2;
	s7 =	sadd.s32 $0x40, s7;
	[tilespmem:v0+s6+$0x0] =	vst.idx.msk vm0, v1  }
0x14: {  	v0 =	vld [tilespmem:s8+$0x0];
	_ =	sdelay $0x4  }
0x15: {  	(xrf1) =	vunique.msk.u32 $0xffff, v0;
	_ =	sdelay $0xd  }
0x16: {  	v1 =	vld.idx.msk [tilespmem:v0+s6+$0x0], $0xffff;
	_, v2, vm0 =	vpop (xrf1);
	_ =	sdelay $0x4  }
0x17: {  	v1 =	vadd.s32 v1, v2  }
0x18: {  	[tilespmem:v0+s6+$0x0] =	vst.idx.msk vm0, v1  }
0x19: {  	v0 =	vld [tilespmem:$0xA00]  }
0x1a: {  	v1 =	vld [tilespmem:$0xA10];
	_ =	sdelay $0x3  }
0x1b: {  	(xrf0) =	vadd.scan.msk.s32 $0xffff, v0  }
0x1c: {  	(xrf0) =	vadd.scan.msk.s32 $0xffff, v1;
	_ =	sdelay $0x4  }
0x1d: {  	v2, _, _ =	vpop (xrf0)  }
0x1e: {  	v3, _, _ =	vpop (xrf0);
	v4 =	vbroadcast v2, $0xF  }
0x1f: {  	v0 =	vsub.s32 v2, v0;
	v1 =	vsub.s32 v3, v1  }
0x20: {  	[tilespmem:$0xA80] =	vst v0;
	v1 =	vadd.s32 v4, v1  }
0x21: {  	s7 =	simm.s32 $0x0;
	[tilespmem:$0xA90] =	vst v1  }
0x22: {  	s8 =	simm.s32 $0x10;
	v0 =	vlaneseq.u32;
	v1 =	vld [tilespmem:s7+$0x0]  }
0x23: {  	s9 =	simm.s32 $0x0;
	s6 =	simm.s32 $0xA80;
	v0 =	vor.u32 s5, v0;
	s5 =	simm.s32 $0x500  }
.LBB2_3:
0x24: {  	p0 =	sne.s32 s8, $0x4F0;
	_ =	sdelay $0x2  }
0x25: {  	(xrf1) =	vunique.msk.u32 $0xffff, v1;
	_ =	sdelay $0x8  }
0x26: {  	v2 =	vld.idx.msk [tilespmem:v1+s6+$0x0], $0xffff;
	_ =	sdelay $0x4  }
0x27: {  	_, v3, vm0 =	vpop (xrf1)  }
0x28: {  	v2 =	vadd.s32 v2, v3  }
0x29: {  	v3 =	vadd.s32 $0xFFFFFFFF, v2;
	_ =	sdelay $0x3  }
.Ltmp1:
0x2a: {  	v4 =	vadd.s32 s7, v0;
	s7 =	smov.u32 s8;
	(pc) =	sbr.rel @p0 .LBB2_3-.Ltmp1, $4  }
0x2b: {  	[tilespmem:v3+s5+$0x0] =	vst.idx.msk $0xffff, v4  }
0x2c: {  	s9 =	sadd.s32 $0x10, s9;
	[tilespmem:v1+s6+$0x0] =	vst.idx.msk vm0, v2  }
0x2d: {  	v1 =	vld [tilespmem:s9+$0x0]  }
0x2e: {  	s8 =	sadd.s32 $0x10, s8  }
0x2f: {  	_ =	sdelay $0x2  }
0x30: {  	(xrf1) =	vunique.msk.u32 $0xffff, v1;
	_ =	sdelay $0x9  }
0x31: {  	v2 =	vld.idx.msk [tilespmem:v1+s6+$0x0], $0xffff;
	_ =	sdelay $0x3  }
0x32: {  	_, v3, vm0 =	vpop (xrf1)  }
0x33: {  	v2 =	vadd.s32 v2, v3  }
0x34: {  	v3 =	vadd.s32 $0xFFFFFFFF, v2;
	_ =	sdelay $0x3  }
0x35: {  	v0 =	vadd.s32 s7, v0  }
0x36: {  	s2 =	sadd.s32 s4, s2;
	[tilespmem:v3+s5+$0x0] =	vst.idx.msk $0xffff, v0  }
0x37: {  	s25 =	sshll.u32 s0, $0x2;
	s26 =	simm.s32 $0x0;
	s28 =	simm.s32 $0x500;
	[tilespmem:v1+s6+$0x0] =	vst.idx.msk vm0, v2  }
0x38: {  	[hbm4b:s2+s26] =	stream.linear.scatter [tilespmem:s28], [sflag:$0x1], $0x500, $0x38;
	[tilespmem:$0xB00] =	vst v63  }
0x39: {  	s30 =	simm.s32 $0xA00;
	s31 =	simm.s32 $0x1;
	s29 =	sadd.s32 s3, s25  }
0x3a: {  	[hbm4b:s29+s26] =	stream.linear.scatter [tilespmem:s30], [sflag:$0x1], $0x20, $0x38;
	[tilespmem:$0xB00] =	vst v63  }
0x3b: {  	_ =	swait.ge [sflag:s31], $0x500  }
0x3c: {  	[sflag:s31] =	ssyncset.done $0x0  }
0x3d: {  	[sflag:s31] =	ssyncadd.s32 $0xFFFFFB00  }
0x3e: {  	_ =	swait.ge [sflag:s31], $0x20  }
0x3f: {  	[sflag:s31] =	ssyncset.done $0x0  }
0x40: {  	[sflag:s31] =	ssyncadd.s32 $0xFFFFFFE0  }
0x41: {  	_ =	sfence.sel $0x180000  }
0x42: {  	[bflag:$0x0] =	sbarrier.arrive $0xFFFF  }
0x43: {  	p0 =	sne.s32 s0, $0x0;
	_ =	strace $0x90000047  }
0x44: {  	s0 =	sadd.s32 @!p0 $0x100000, s1;
	[bflag:$0x2] =	sbarrier.arrive $0xFFFF  }
0x45: {  	[sflag:s0] =	ssyncadd.tile.s32 @!p0 $0x1;
	_ =	shalt  }
.Lfunc_end2:
_tile_overlayer_lowered:
.L_overlay_start_2:
0x46: {  	(tag) =	ssettag $0x2  }
0x47: {  	s0 =	rddreg [dreg:$0x0];
	s2 =	stileid.u32  }
0x48: {  	s1 =	rddreg [dreg:$0x1];
	p0 =	sne.s32 s2, $0x0  }
0x49: {  	s3 =	rddreg [dreg:$0x2];
	[bflag:$0x3] =	sbarrier.arrive $0xFFFF;
	s2 =	simm.s32 @!p0 $0x1C02  }
0x4a: {  	[timem:s3], [sflag:s2] =	dma.local @!p0 [hbm:s0], s1  }
0x4b: {  	s0 =	simm.s32 @!p0 $0x2  }
0x4c: {  	_ =	swait.ge @!p0 [sflag:s0], s1  }
0x4d: {  	s1 =	ssub.s32 @!p0 $0x0, s1;
	[sflag:s0] =	ssyncset.done @!p0 $0x0  }
0x4e: {  	[sflag:s0] =	ssyncadd.s32 @!p0 s1  }
0x4f: {  	[bflag:$0x3] =	sbarrier.arrive $0xFFFF  }
0x50: {  	_ =	shalt  }

// kernel: kernel.8.cloned.1.call-start
scs
__scs_entry_jumppad:
0x0: {  	(pc) =	sbr.rel $0x88, $3  }
0x1: {  	(tag) =	ssettag $0x0;
	lr =	simm.s32 $0x1  }
0x2: {  	[smem:$0x3F9D] =	sst lr;
	_ =	strace $0xD0000000  }
0x3: {  	_ = 	snop  }
0x4: {  	_ = 	snop  }
0x5: {  	_ = 	snop  }
0x6: {  	_ = 	snop  }
0x7: {  	_ = 	snop  }
__scs_overlays_trampoline_lowered:
0x8: {  	[smem:$0x3FAC] =	sst s0  }
0x9: {  	[smem:$0x3FAD] =	sst s1  }
0xa: {  	[smem:$0x3FAE] =	sst s2  }
0xb: {  	[smem:$0x3FAF] =	sst s3  }
0xc: {  	[smem:$0x3FB0] =	sst s4  }
0xd: {  	[smem:$0x3FB1] =	sst s5  }
0xe: {  	[smem:$0x3FB2] =	sst s6  }
0xf: {  	[smem:$0x3FB3] =	sst s7  }
0x10: {  	[smem:$0x3FB4] =	sst s8  }
0x11: {  	[smem:$0x3FB5] =	sst s9;
	s0 =	simm.s32 @!p0 $0x0  }
0x12: {  	s1 =	sld [smem:$0x3F9B];
	s0 =	simm.s32 @p0 $0x1  }
0x13: {  	[smem:$0x3FB6] =	sst s0;
	s0 =	simm.s32 @!p1 $0x0  }
0x14: {  	s2 =	sld [smem:$0x3F9A];
	s0 =	simm.s32 @p1 $0x1  }
0x15: {  	[smem:$0x3FB7] =	sst s0;
	s0 =	simm.s32 @!p2 $0x0  }
0x16: {  	s3 =	sld [smem:$0x3FDB];
	s0 =	simm.s32 @p2 $0x1  }
0x17: {  	s4 =	simm.s32 $0x1BF5;
	[smem:$0x3FB9] =	sst s0  }
0x18: {  	s0 =	sld [smem:$0x3F9C];
	_ =	swait.ge [sflag:s4], $0x0  }
0x19: {  	s7 =	sld [smem:$0x3F9D]  }
0x1a: {  	s8 =	sadd.s32 $0xFFFFE003, lr  }
0x1b: {  	s9 =	sadd.s32 $0xFFFFFEF7, lr;
	s5 =	simm.s32 $0xFFFFFFFF;
	p2 =	slt.u32 s8, $0xFFFFF086  }
0x1c: {  	p1 =	slt.u32 s9, $0xF7A;
	s5 =	simm.s32 @!p2 $0x0  }
0x1d: {  	s5 =	simm.s32 @p1 $0x1;
	p0 =	seq.s32 s7, s2  }
0x1e: {  	s7 =	smul.u32 @!p0 $0xF7A, s2;
	p2 =	seq.s32 @!p0 s5, $0x0  }
0x1f: {  	s9 =	smul.u32 $0xF7A, s1;
	s8 =	simm.s32 @!p0 $0x1BF5;
	p2 =	por !p2, p0  }
0x20: {  	[sflag:s8] =	ssyncset.s32 @!p0 $0xFFFFF086;
	s6 =	sadd.s32 @!p0 s3, s7;
	s7 =	simm.s32 @!p0 $0x108  }
0x21: {  	s3 =	sadd.s32 s3, s9;
	s6 =	sadd.s32 @!p0 $0x88, s6;
	s7 =	simm.s32 @p2 $0x1082  }
0x22: {  	[simem:s7], [sflag:s8] =	dma.local @!p0 [hbm:s6], $0xF7A  }
0x23: {  	s9 =	sor.u32 $0xD0000000, s2;
	s6 =	simm.s32 $0x108;
	_ =	swait.ge @!p0 [sflag:s8], $0x0  }
0x24: {  	s3 =	sadd.s32 $0x88, s3;
	s6 =	simm.s32 @!p1 $0x1082;
	[sflag:s4] =	ssyncset.s32 $0xFFFFF086  }
0x25: {  	[simem:s6], [sflag:s4] =	dma.local [hbm:s3], $0xF7A  }
0x26: {  	[smem:$0x3F9D] =	sst s1;
	(tag) =	ssettag s2;
	_ =	strace s9  }
0x27: {  	s1 =	sld [smem:$0x3FAD]  }
0x28: {  	s2 =	sld [smem:$0x3FAE]  }
0x29: {  	s4 =	sld [smem:$0x3FB0]  }
0x2a: {  	p0 =	seq.s32 s5, $0x0;
	s5 =	sld [smem:$0x3FB1]  }
0x2b: {  	s6 =	sld [smem:$0x3FB2]  }
0x2c: {  	s7 =	sld [smem:$0x3FB3]  }
0x2d: {  	s3 =	simm.s32 $0x108;
	s8 =	sld [smem:$0x3FB4]  }
0x2e: {  	s3 =	simm.s32 @!p0 $0x1082;
	s9 =	sld [smem:$0x3FB5]  }
0x2f: {  	lr =	sadd.s32 s0, s3;
	s0 =	sld [smem:$0x3FAC]  }
0x30: {  	s3 =	sld [smem:$0x3FAF]  }
0x31: {  	[smem:$0x3FB8] =	sst s10  }
0x32: {  	s10 =	sld [smem:$0x3FB6];
	_ =	sdelay $0x3  }
0x33: {  	p0 =	seq.s32 s10, $0x1;
	s10 =	sld [smem:$0x3FB8];
	_ =	sdelay $0x3  }
0x34: {  	[smem:$0x3FB8] =	sst s10  }
0x35: {  	s10 =	sld [smem:$0x3FB7];
	_ =	sdelay $0x3  }
0x36: {  	p1 =	seq.s32 s10, $0x1;
	s10 =	sld [smem:$0x3FB8];
	_ =	sdelay $0x3  }
0x37: {  	[smem:$0x3FB8] =	sst s10  }
0x38: {  	s10 =	sld [smem:$0x3FB9]  }
0x39: {  	_ = 	snop;
	(pc) =	sbr.ind lr, $3  }
0x3a: {  	_ = 	snop  }
0x3b: {  	_ = 	snop  }
0x3c: {  	p2 =	seq.s32 s10, $0x1;
	s10 =	sld [smem:$0x3FB8]  }
0x3d: {  	_ =	shalt  }
0x3e: {  	_ =	shalt  }
0x3f: {  	_ =	shalt  }
0x40: {  	_ =	shalt  }
0x41: {  	_ =	shalt  }
0x42: {  	_ =	shalt  }
0x43: {  	_ =	shalt  }
0x44: {  	_ =	shalt  }
0x45: {  	_ =	shalt  }
0x46: {  	_ =	shalt  }
0x47: {  	_ =	shalt  }
0x48: {  	_ =	shalt  }
0x49: {  	_ =	shalt  }
0x4a: {  	_ =	shalt  }
0x4b: {  	_ =	shalt  }
0x4c: {  	_ =	shalt  }
0x4d: {  	_ =	shalt  }
0x4e: {  	_ =	shalt  }
0x4f: {  	_ =	shalt  }
0x50: {  	_ =	shalt  }
0x51: {  	_ =	shalt  }
0x52: {  	_ =	shalt  }
0x53: {  	_ =	shalt  }
0x54: {  	_ =	shalt  }
0x55: {  	_ =	shalt  }
0x56: {  	_ =	shalt  }
0x57: {  	_ =	shalt  }
0x58: {  	_ =	shalt  }
0x59: {  	_ =	shalt  }
0x5a: {  	_ =	shalt  }
0x5b: {  	_ =	shalt  }
0x5c: {  	_ =	shalt  }
0x5d: {  	_ =	shalt  }
0x5e: {  	_ =	shalt  }
0x5f: {  	_ =	shalt  }
0x60: {  	_ =	shalt  }
0x61: {  	_ =	shalt  }
0x62: {  	_ =	shalt  }
0x63: {  	_ =	shalt  }
0x64: {  	_ =	shalt  }
0x65: {  	_ =	shalt  }
0x66: {  	_ =	shalt  }
0x67: {  	_ =	shalt  }
0x68: {  	_ =	shalt  }
0x69: {  	_ =	shalt  }
0x6a: {  	_ =	shalt  }
0x6b: {  	_ =	shalt  }
0x6c: {  	_ =	shalt  }
0x6d: {  	_ =	shalt  }
0x6e: {  	_ =	shalt  }
0x6f: {  	_ =	shalt  }
0x70: {  	_ =	shalt  }
0x71: {  	_ =	shalt  }
0x72: {  	_ =	shalt  }
0x73: {  	_ =	shalt  }
0x74: {  	_ =	shalt  }
0x75: {  	_ =	shalt  }
0x76: {  	_ =	shalt  }
0x77: {  	_ =	shalt  }
0x78: {  	_ =	shalt  }
0x79: {  	_ =	shalt  }
0x7a: {  	_ =	shalt  }
0x7b: {  	_ =	shalt  }
0x7c: {  	_ =	shalt  }
0x7d: {  	_ =	shalt  }
0x7e: {  	_ =	shalt  }
0x7f: {  	_ =	shalt  }
0x80: {  	_ =	shalt  }
0x81: {  	_ =	shalt  }
0x82: {  	_ =	shalt  }
0x83: {  	_ =	shalt  }
0x84: {  	_ =	shalt  }
0x85: {  	_ =	shalt  }
0x86: {  	_ =	shalt  }
0x87: {  	_ =	shalt  }
.Lfunc_end0:
.L_simem_size_0:
called_computation.1_lowered:
.L_overlay_start_0:
0x88: {  	s2 =	sld [smem:$0x3FD9]  }
0x89: {  	s3 =	sld [smem:$0x3FFE];
	_ =	sdelay $0x1  }
0x8a: {  	s1 =	srdreg.scid  }
0x8b: {  	s0 =	sand.u32 $0x1, s1  }
0x8c: {  	s16 =	sshll.u32 s0, $0xA;
	s2 =	sadd.s32 s3, s2  }
0x8d: {  	s2 =	sadd.s32 s2, s16  }
0x8e: {  	[smem:$0x3FC4] =	sst s2  }
0x8f: {  	_ = 	snop  }
0x90: {  	(tm) =	ssettm $0x1  }
0x91: {  	s17 =	sld [smem:$0x3FFB];
	_ =	sdelay $0x3  }
0x92: {  	_ =	strace s17  }
0x93: {  	s2 =	sld [smem:$0x3FFC];
	_ =	sdelay $0x3  }
0x94: {  	_ =	strace s2  }
0x95: {  	s2 =	sld [smem:$0x3FFD];
	_ =	sdelay $0x3  }
0x96: {  	_ =	strace s2  }
0x97: {  	_ =	strace $0x8FFFFFFF  }
0x98: {  	s18 =	sld [smem:$0x3FDB];
	_ =	sdelay $0x1  }
0x99: {  	s19 =	simm.s32 $_scs_section_size  }
0x9a: {  	s4 =	simm.s32 $_size__tile_overlayer_lowered;
	s5 =	simm.s32 $_tile_overlayer_lowered  }
0x9b: {  	s22 =	simm.s32 $0x1BFF;
	s21 =	sshll.u32 s5, $0x1;
	s2 =	sadd.s32 s19, s18  }
0x9c: {  	s6 =	simm.s32 $0x0;
	s20 =	sshll.u32 s4, $0x1;
	s4 =	sadd.s32 s21, s2  }
0x9d: {  	[timem:s6], [sflag:s22] =	dma.local [hbm:s4], s20  }
0x9e: {  	_ =	swait.ge [sflag:s22], s20  }
0x9f: {  	s3 =	ssub.s32 $0x0, s20;
	[sflag:s22] =	ssyncset.done $0x0  }
0xa0: {  	[sflag:s22] =	ssyncadd.s32 s3;
	_ =	sdelay $0x1  }
0xa1: {  	s23 =	simm.s32 $0x1B8B  }
0xa2: {  	_ =	swait.ge [sflag:s23], $0x1  }
0xa3: {  	[sflag:s23] =	ssyncset.done $0x0  }
0xa4: {  	s25 =	simm.s32 $0x1B8E;
	s24 =	sld [smem:$0x3FFE];
	[sflag:s23] =	ssyncadd.s32 $0xFFFFFFFF  }
0xa5: {  	s26 =	simm.s32 $execute0_lowered;
	[smem:$0x3FD2] =	sst s25  }
0xa6: {  	s4 =	sshll.u32 s26, $0x1;
	_ =	strace $0x80000049;
	[dreg:$0x1] =	wrdreg $0xFFFFFFFF  }
0xa7: {  	s28 =	simm.s32 $_size_execute0_lowered;
	s2 =	sadd.s32 s2, s4;
	[dreg:$0x0] =	wrdreg $0x0  }
0xa8: {  	s4 =	sshll.u32 s28, $0x1;
	[dreg:$0x2] =	wrdreg s2  }
0xa9: {  	[dreg:$0x3] =	wrdreg s4  }
0xaa: {  	[dreg:$0x4] =	wrdreg $0xC0  }
0xab: {  	_ =	task [dreg:s6], $0x5FFFF  }
0xac: {  	[dreg:$0x1] =	wrdreg $0xFFFFFFFF  }
0xad: {  	[dreg:$0x0] =	wrdreg $0x60  }
0xae: {  	[dreg:$0x2] =	wrdreg s24  }
0xaf: {  	[dreg:$0x3] =	wrdreg $0x9  }
0xb0: {  	_ =	task.clear_ibuf [dreg:s6], $0x4FFFF;
	_ =	strace $0x90000049  }
0xb1: {  	s29 =	simm.s32 $0x9;
	_ =	strace $0x8000004B  }
0xb2: {  	_ =	swait.ge [sflag:s29], $0x1  }
0xb3: {  	[sflag:s29] =	ssyncadd.s32 $0xFFFFFFFF  }
0xb4: {  	_ =	strace $0x9000004B  }
0xb5: {  	_ =	sfence  }
0xb6: {  	s30 =	sld [smem:$0x0];
	_ =	sdelay $0x2  }
0xb7: {  	s31 =	sshll.u32 s1, $0xD;
	s1 =	sshrl.u32 s1, $0x2  }
0xb8: {  	s3 =	sand.u32 $0x4000, s31;
	s1 =	sadd.s32 s1, s30  }
0xb9: {  	s0 =	sor.u32 s3, s0;
	s1 =	sshll.u32 s1, $0x11  }
0xba: {  	s0 =	sor.u32 s1, s0  }
0xbb: {  	s0 =	sadd.s32 $0x8F2B, s0  }
0xbc: {  	[sflag:s0] =	ssyncadd.remote.s32 $0x1  }
0xbd: {  	_ =	sfence.sel $0xFFFF  }
0xbe: {  	[dreg:$0x0] =	wrdreg $0xFFFFFFFF;
	(pc) =	sbr.abs _section_cstart, $3  }
0xbf: {  	[dreg:$0x1] =	wrdreg $0xFFFFFFFF  }
0xc0: {  	_ =	task.clear_ibuf [dreg:s6], $0x2FFFF;
	_ =	strace $0x9FFFFFFF  }
0xc1: {  	(tm) =	ssettm $0x7FFFFFFF  }
tec
execute0_lowered:
.L_overlay_start_1:
0x0: {  	(tag) =	ssettag $0x1  }
0x1: {  	s0 =	rddreg [dreg:$0x0];
	s2 =	simm.s32 $0x0  }
0x2: {  	s1 =	srdreg.scid;
	s4 =	stileid.u32;
	s16 =	simm.s32 $0x5000  }
0x3: {  	s17 =	simm.s32 $0xA000;
	s18 =	simm.s32 $0xF000;
	s24 =	simm.s32 $0x19580  }
0x4: {  	s25 =	simm.s32 $0x19600;
	s26 =	simm.s32 $0x1;
	s28 =	simm.s32 $0x19700  }
0x5: {  	s29 =	simm.s32 $0x2;
	s30 =	simm.s32 $0x0;
	[smem:$0x7FF] =	sst s2  }
0x6: {  	s3 =	sadd.s32 $0x1600, s0;
	s1 =	sand.u32 $0x1, s1;
	s6 =	sshll.u32 s4, $0x1  }
0x7: {  	s4 =	sadd.s32 $0x2000, s0;
	s5 =	sadd.s32 $0x2A00, s0;
	s7 =	sadd.s32 $0xA00, s0  }
0x8: {  	_ =	strace $0x8000004A;
	s12 =	sor.u32 s1, s6;
	s6 =	sadd.s32 $0x3400, s0  }
.Ltmp0:
0x9: {  	s1 =	ssub.s32 $0x2, s1;
	s8 =	sshll.u32 s12, $0x2;
	(pc) =	sbr.rel .LBB2_1-.Ltmp0, $4  }
0xa: {  	s9 =	sshrl.u32 s1, $0x1;
	s14 =	sshll.u32 s12, $0x4;
	s13 =	sadd.s32 s8, s0  }
0xb: {  	s8 =	sadd.s32 $0x1400, s0;
	s1 =	ssub.s32 s1, s9;
	s14 =	sadd.s32 s0, s14  }
0xc: {  	v0 =	vimm.f32 $0.0e+00;
	s9 =	sadd.s32 $0x3E00, s13;
	s10 =	sadd.s32 $0x4000, s13;
	s11 =	sadd.s32 $0x4200, s13  }
0xd: {  	v1 =	vlaneseq.u32;
	vm0 =	vcmask $0x300;
	vm1 =	vcmask $0x704;
	s12 =	sadd.s32 $0x4400, s13;
	s13 =	sadd.s32 $0x4600, s13;
	s15 =	smax.u32 s1, $0x1  }
.LBB2_11:
0xe: {  	s30 =	sadd.s32 $0x1, s30  }
0xf: {  	p0 =	sne.s32 s30, s15  }
.Ltmp1:
0x10: {  	_ = 	snop;
	(pc) =	sbr.rel @!p0 .LBB2_12-.Ltmp1, $4  }
0x11: {  	[hbm4b:s14+s2] =	stream.linear.scatter [tilespmem:s28], [sflag:$0x2], $0x80, $0x38;
	[tilespmem:$0x19780] =	vst v63  }
0x12: {  	_ =	swait.ge [sflag:s29], $0x80  }
0x13: {  	[sflag:s29] =	ssyncset.done $0x0  }
0x14: {  	[sflag:s29] =	ssyncadd.s32 $0xFFFFFF80  }
.LBB2_1:
0x15: {  	[tilespmem:s2], [sflag:$0x1] =	stream.linear.gather [hbm4b:s3+s2], $0x5000, $0x38;
	[tilespmem:$0x19780] =	vst v63  }
0x16: {  	_ = 	snop  }
0x17: {  	[tilespmem:s16], [sflag:$0x1] =	stream.linear.gather [hbm4b:s4+s2], $0x5000, $0x38;
	[tilespmem:$0x19780] =	vst v63  }
0x18: {  	_ = 	snop  }
0x19: {  	[tilespmem:s17], [sflag:$0x1] =	stream.linear.gather [hbm4b:s5+s2], $0x5000, $0x38;
	[tilespmem:$0x19780] =	vst v63  }
0x1a: {  	_ = 	snop  }
0x1b: {  	[tilespmem:s18], [sflag:$0x1] =	stream.linear.gather [hbm4b:s6+s2], $0x5000, $0x38;
	[tilespmem:$0x19780] =	vst v63  }
0x1c: {  	s0 =	simm.s32 $0x14000  }
0x1d: {  	[tilespmem:s0], [sflag:$0x1] =	stream.linear.gather [hbm4b:s7+s2], $0x5000, $0x38;
	[tilespmem:$0x19780] =	vst v63  }
0x1e: {  	s21 =	simm.s32 $0x19000  }
0x1f: {  	[tilespmem:s21], [sflag:$0x1] =	stream.linear.gather [hbm4b:s8+s2], $0x200, $0x38;
	[tilespmem:$0x19780] =	vst v63  }
0x20: {  	s22 =	simm.s32 $0x19400  }
0x21: {  	[tilespmem:s22], [sflag:$0x1] =	stream.linear.gather [hbm4b:s9+s2], $0x20, $0x38;
	[tilespmem:$0x19780] =	vst v63  }
0x22: {  	s23 =	simm.s32 $0x19480  }
0x23: {  	[tilespmem:s23], [sflag:$0x1] =	stream.linear.gather [hbm4b:s10+s2], $0x20, $0x38;
	[tilespmem:$0x19780] =	vst v63  }
0x24: {  	s31 =	simm.s32 $0x19500  }
0x25: {  	[tilespmem:s31], [sflag:$0x1] =	stream.linear.gather [hbm4b:s11+s2], $0x20, $0x38;
	[tilespmem:$0x19780] =	vst v63  }
0x26: {  	_ = 	snop  }
0x27: {  	[tilespmem:s24], [sflag:$0x1] =	stream.linear.gather [hbm4b:s12+s2], $0x20, $0x38;
	[tilespmem:$0x19780] =	vst v63  }
0x28: {  	_ = 	snop  }
0x29: {  	[tilespmem:s25], [sflag:$0x1] =	stream.linear.gather [hbm4b:s13+s2], $0x20, $0x38;
	[tilespmem:$0x19780] =	vst v63  }
0x2a: {  	_ =	swait.ge [sflag:s26], $0x5000  }
0x2b: {  	[sflag:s26] =	ssyncset.done $0x0  }
0x2c: {  	[sflag:s26] =	ssyncadd.s32 $0xFFFFB000  }
0x2d: {  	_ =	swait.ge [sflag:s26], $0x5000  }
0x2e: {  	[sflag:s26] =	ssyncset.done $0x0  }
0x2f: {  	[sflag:s26] =	ssyncadd.s32 $0xFFFFB000  }
0x30: {  	_ =	swait.ge [sflag:s26], $0x5000  }
0x31: {  	[sflag:s26] =	ssyncset.done $0x0  }
0x32: {  	[sflag:s26] =	ssyncadd.s32 $0xFFFFB000  }
0x33: {  	_ =	swait.ge [sflag:s26], $0x5000  }
0x34: {  	[sflag:s26] =	ssyncset.done $0x0  }
0x35: {  	[sflag:s26] =	ssyncadd.s32 $0xFFFFB000  }
0x36: {  	_ =	swait.ge [sflag:s26], $0x5000  }
0x37: {  	[sflag:s26] =	ssyncset.done $0x0  }
0x38: {  	[sflag:s26] =	ssyncadd.s32 $0xFFFFB000  }
0x39: {  	_ =	swait.ge [sflag:s26], $0x200  }
0x3a: {  	[sflag:s26] =	ssyncset.done $0x0  }
0x3b: {  	[sflag:s26] =	ssyncadd.s32 $0xFFFFFE00  }
0x3c: {  	_ =	swait.ge [sflag:s26], $0x20  }
0x3d: {  	[sflag:s26] =	ssyncset.done $0x0  }
0x3e: {  	[sflag:s26] =	ssyncadd.s32 $0xFFFFFFE0  }
0x3f: {  	_ =	swait.ge [sflag:s26], $0x20  }
0x40: {  	[sflag:s26] =	ssyncset.done $0x0  }
0x41: {  	[sflag:s26] =	ssyncadd.s32 $0xFFFFFFE0  }
0x42: {  	_ =	swait.ge [sflag:s26], $0x20  }
0x43: {  	[sflag:s26] =	ssyncset.done $0x0  }
0x44: {  	[sflag:s26] =	ssyncadd.s32 $0xFFFFFFE0  }
0x45: {  	_ =	swait.ge [sflag:s26], $0x20  }
0x46: {  	[sflag:s26] =	ssyncset.done $0x0  }
0x47: {  	[sflag:s26] =	ssyncadd.s32 $0xFFFFFFE0  }
0x48: {  	_ =	swait.ge [sflag:s26], $0x20  }
0x49: {  	[sflag:s26] =	ssyncset.done $0x0  }
0x4a: {  	[sflag:s26] =	ssyncadd.s32 $0xFFFFFFE0  }
0x4b: {  	s1 =	simm.s32 $0x0;
	[tilespmem:$0x19700] =	vst v0  }
0x4c: {  	v5 =	vld [tilespmem:s1+$0x19000]  }
0x4d: {  	v4 =	vld [tilespmem:s1+$0x19010];
	_ =	sdelay $0x3  }
0x4e: {  	s0 =	simm.s32 $0x20;
	(xrf0) =	vadd.scan.msk.s32 $0xffff, v5  }
0x4f: {  	v2 =	vld [tilespmem:s0+$0x19000];
	(xrf0) =	vadd.scan.msk.s32 $0xffff, v4  }
0x50: {  	v3 =	vld [tilespmem:s0+$0x19010];
	_ =	sdelay $0x1  }
0x51: {  	s19 =	simm.s32 $0x100  }
.LBB2_2:
0x52: {  	p0 =	sne.s32 s19, $0x780  }
.Ltmp2:
0x53: {  	s20 =	sshra.s32 s19, $0x2;
	s19 =	sadd.s32 $0x80, s19;
	(xrf0) =	vadd.scan.msk.s32 $0xffff, v2;
	v6, _, _ =	vpop (xrf0);
	(pc) =	sbr.rel @p0 .LBB2_2-.Ltmp2, $4  }
0x54: {  	(xrf0) =	vadd.scan.msk.s32 $0xffff, v3;
	v7 =	vsub.s32 v6, v5;
	v6 =	vbroadcast v6, $0xF;
	v8, _, _ =	vpop (xrf0);
	v5 =	vmov v2;
	v2 =	vld [tilespmem:s20+$0x19000]  }
0x55: {  	[tilespmem:s1+$0x19200] =	vst v7;
	v7 =	vsub.s32 v8, v4;
	v4 =	vmov v3;
	v3 =	vld [tilespmem:s20+$0x19010]  }
0x56: {  	v6 =	vadd.s32 v6, v7  }
0x57: {  	[tilespmem:s1+$0x19210] =	vst v6;
	s1 =	smov.u32 s0;
	s0 =	smov.u32 s20  }
0x58: {  	_ = 	snop  }
0x59: {  	(xrf0) =	vadd.scan.msk.s32 $0xffff, v2  }
0x5a: {  	(xrf0) =	vadd.scan.msk.s32 $0xffff, v3;
	_ =	sdelay $0x2  }
0x5b: {  	v6, _, _ =	vpop (xrf0)  }
0x5c: {  	v7 =	vbroadcast v6, $0xF;
	v8, _, _ =	vpop (xrf0)  }
.Ltmp3:
0x5d: {  	v5 =	vsub.s32 v6, v5;
	v4 =	vsub.s32 v8, v4;
	v61, _, _ =	vpop (xrf0);
	(pc) =	sbr.rel .LBB2_4-.Ltmp3, $4  }
0x5e: {  	[tilespmem:s1+$0x19200] =	vst v5;
	v4 =	vadd.s32 v7, v4;
	v62 =	vbroadcast v61, $0xF;
	v63, _, _ =	vpop (xrf0)  }
0x5f: {  	[tilespmem:s1+$0x19210] =	vst v4;
	v2 =	vsub.s32 v61, v2;
	v3 =	vsub.s32 v63, v3  }
0x60: {  	[tilespmem:s0+$0x19200] =	vst v2;
	v2 =	vadd.s32 v62, v3  }
0x61: {  	s31 =	simm.s32 $0x0;
	[tilespmem:s0+$0x19210] =	vst v2  }
.LBB2_10:
0x62: {  	(xrf0) =	vmax.scan.msk.f32 $0xffff, v6;
	_ =	sdelay $0x5  }
0x63: {  	v2, _, _ =	vpop (xrf0)  }
0x64: {  	(v2sf) =	vpush v2, $0xF;
	_ =	sdelay $0xe  }
0x65: {  	s0 =	spop (v2sf)  }
0x66: {  	v2 =	vld [tilespmem:$0x19700];
	p0 =	sge.f32 s0, $0.0e+00;
	s0 =	ssub.f32 $1.000000000e+00, s0  }
0x67: {  	_ = 	snop  }
0x68: {  	s0 =	simm.s32 @!p0 $0x0  }
0x69: {  	s1 =	simm.f32 $1.000000000e+00;
	s31 =	sadd.s32 $0x1, s31;
	v3 =	vmov s0  }
0x6a: {  	s1 =	simm.s32 @!p0 $0x0;
	p0 =	sne.s32 s31, $0x20;
	v3 =	vnsel vm0, $0x0, v3  }
.Ltmp4:
0x6b: {  	v2 =	vadd.f32 v3, v2;
	v3 =	vmov s1;
	(pc) =	sbr.rel @!p0 .LBB2_11-.Ltmp4, $3  }
0x6c: {  	v3 =	vnsel vm1, $0x0, v3  }
0x6d: {  	v2 =	vadd.f32 v2, v3;
	_ =	sdelay $0x1  }
0x6e: {  	[tilespmem:$0x19700] =	vst v2  }
.LBB2_4:
0x6f: {  	v2 =	vld [tilespmem:s31+$0x19600];
	_ =	sdelay $0x4  }
0x70: {  	(v2sf) =	vpush v2, $0x0;
	_ =	sdelay $0x5  }
0x71: {  	v3 =	vld.msk [tilespmem:s31+$0x19480 ss:$0x0], $0xffff  }
0x72: {  	v4 =	vld.msk [tilespmem:s31+$0x19500 ss:$0x0], $0xffff  }
0x73: {  	v5 =	vld.msk [tilespmem:s31+$0x19580 ss:$0x0], $0xffff  }
0x74: {  	v2 =	vld.msk [tilespmem:s31+$0x19400 ss:$0x0], $0xffff;
	_ =	sdelay $0x2  }
.Ltmp5:
0x75: {  	_ = 	snop;
	(pc) =	sbr.rel .LBB2_5-.Ltmp5, $4  }
0x76: {  	_ = 	snop  }
0x77: {  	v8 =	vsub.f32 v5, v3;
	v7 =	vsub.f32 v4, v2  }
0x78: {  	v6 =	vimm.f32 $-1.000000000e+00;
	s0 =	spop (v2sf)  }
0x79: {  	s1 =	simm.s32 $0x0;
	[tilespmem:$0x19680] =	vst v6;
	v7 =	vmul.f32 v8, v7;
	v8 =	vmov s0;
	s0 =	simm.s32 $0x0  }
.LBB2_8:
0x7a: {  	v9 =	vnsel vm2, $0xBF800000, v11  }
0x7b: {  	v6 =	vmax.f32 v6, v9  }
0x7c: {  	[tilespmem:$0x19680] =	vst v6  }
.LBB2_9:
0x7d: {  	s1 =	sadd.s32 $0x1, s1  }
0x7e: {  	p0 =	sne.s32 s1, $0x10  }
.Ltmp6:
0x7f: {  	_ = 	snop;
	(pc) =	sbr.rel @!p0 .LBB2_10-.Ltmp6, $2  }
0x80: {  	_ =	sdelay $0x2  }
0x81: {  	s0 =	sadd.s32 $0x500, s0  }
.LBB2_5:
0x82: {  	_ =	sdelay $0x2  }
0x83: {  	s19 =	sshll.u32 s1, $0x5  }
0x84: {  	v9 =	vld.idx.msk [tilespmem:v8+s19+$0x19200 ss:$0x1], $0xffff  }
0x85: {  	v10 =	vld.idx.msk [tilespmem:v8+s19+$0x19000 ss:$0x1], $0xffff;
	_ =	sdelay $0x3  }
0x86: {  	(v2sf) =	vpush v9, $0x0  }
0x87: {  	(v2sf) =	vpush v10, $0x0;
	_ =	sdelay $0xc  }
0x88: {  	s20 =	smul.u32 $0x500, s1  }
0x89: {  	s19 =	spop (v2sf)  }
0x8a: {  	s22 =	sadd.s32 s20, s19;
	s23 =	spop (v2sf)  }
0x8b: {  	s23 =	sadd.s32 s23, s22  }
0x8c: {  	s20 =	sadd.s32 $0xF, s23  }
0x8d: {  	s21 =	sshra.s32 s22, $0x4;
	s20 =	sshra.s32 s20, $0x4  }
0x8e: {  	s21 =	ssub.s32 s20, s21  }
0x8f: {  	p0 =	slt.s32 s21, $0x1  }
.Ltmp7:
0x90: {  	_ = 	snop;
	(pc) =	sbr.rel @p0 .LBB2_9-.Ltmp7, $1  }
0x91: {  	_ =	sdelay $0x3  }
0x92: {  	s20 =	sadd.s32 s0, s19  }
0x93: {  	s19 =	sshll.u32 s20, $0x2  }
0x94: {  	s19 =	sshra.s32 s19, $0x2  }
0x95: {  	s19 =	sand.u32 $0xFFFFFFF0, s19  }
0x96: {  	s19 =	sadd.s32 $0x14000, s19  }
0x97: {  	v9 =	vld [tilespmem:s19+$0x0];
	_ =	sdelay $0x7  }
0x98: {  	v10 =	vld.idx.msk [tilespmem:v9+s18+$0x0], $0xffff  }
0x99: {  	v11 =	vld.idx.msk [tilespmem:v9+s17+$0x0], $0xffff  }
0x9a: {  	v12 =	vld.idx.msk [tilespmem:v9+s2+$0x0], $0xffff  }
0x9b: {  	v9 =	vld.idx.msk [tilespmem:v9+s16+$0x0], $0xffff;
	_ =	sdelay $0x3  }
0x9c: {  	v13 =	vmin.f32 v10, v5;
	v14 =	vsub.f32 v11, v12;
	v12 =	vmax.f32 v12, v2  }
0x9d: {  	v11 =	vmin.f32 v11, v4;
	v10 =	vsub.f32 v10, v9;
	v9 =	vmax.f32 v9, v3  }
0x9e: {  	v11 =	vsub.f32 v11, v12;
	v9 =	vsub.f32 v13, v9  }
0x9f: {  	v10 =	vmul.f32 v10, v14  }
0xa0: {  	v11 =	vmax.f32 v11, $0.0e+00;
	v9 =	vmax.f32 v9, $0.0e+00  }
0xa1: {  	v11 =	vmul.f32 v9, v11;
	v9 =	vadd.f32 v10, v7;
	_ =	sdelay $0x1  }
0xa2: {  	v9 =	vsub.f32 v9, v11;
	_ =	sdelay $0x1  }
0xa3: {  	(erf) = vrcp.f32 v9;
	_ =	sdelay $0x5  }
0xa4: {  	p0 =	sne.s32 s21, $0x1  }
.Ltmp8:
0xa5: {  	_ = 	snop;
	(pc) =	sbr.rel @!p0 .LBB2_8-.Ltmp8, $4  }
0xa6: {  	s20 =	sand.u32 $0xFFFFFFF0, s20  }
0xa7: {  	v62 =	vor.u32 s20, v1;
	v10 =	vmov s23;
	v9 =	vmov s22;
	v63 =	vpop (erf)  }
0xa8: {  	vm3 =	vlt.s32 v62, v10;
	vm2 =	vge.s32 v62, v9;
	v11 =	vmul.f32 v63, v11  }
0xa9: {  	s21 =	sadd.s32 $0xFFFFFFFF, s21;
	vm2 =	vmand vm2, vm3  }
.LBB2_7:
0xaa: {  	p0 =	sne.s32 s21, $0x1;
	s19 =	sadd.s32 $0x10, s19;
	s20 =	sadd.s32 $0x10, s20  }
0xab: {  	s21 =	sadd.s32 $0xFFFFFFFF, s21;
	v11 =	vnsel vm2, $0xBF800000, v11  }
0xac: {  	v6 =	vmax.f32 v6, v11  }
0xad: {  	[tilespmem:$0x19680] =	vst v6  }
0xae: {  	v11 =	vld [tilespmem:s19+$0x0];
	_ =	sdelay $0x7  }
0xaf: {  	v12 =	vld.idx.msk [tilespmem:v11+s18+$0x0], $0xffff  }
0xb0: {  	v13 =	vld.idx.msk [tilespmem:v11+s17+$0x0], $0xffff  }
0xb1: {  	v14 =	vld.idx.msk [tilespmem:v11+s2+$0x0], $0xffff  }
0xb2: {  	v11 =	vld.idx.msk [tilespmem:v11+s16+$0x0], $0xffff;
	_ =	sdelay $0x3  }
0xb3: {  	v15 =	vmin.f32 v12, v5  }
0xb4: {  	v16 =	vsub.f32 v13, v14;
	v14 =	vmax.f32 v14, v2;
	v13 =	vmin.f32 v13, v4  }
0xb5: {  	v12 =	vsub.f32 v12, v11;
	v11 =	vmax.f32 v11, v3;
	v13 =	vsub.f32 v13, v14  }
0xb6: {  	v11 =	vsub.f32 v15, v11  }
0xb7: {  	v12 =	vmul.f32 v12, v16;
	v13 =	vmax.f32 v13, $0.0e+00  }
0xb8: {  	v11 =	vmax.f32 v11, $0.0e+00  }
0xb9: {  	v11 =	vmul.f32 v11, v13;
	v12 =	vadd.f32 v12, v7;
	_ =	sdelay $0x1  }
0xba: {  	v12 =	vsub.f32 v12, v11;
	_ =	sdelay $0x1  }
0xbb: {  	(erf) = vrcp.f32 v12;
	_ =	sdelay $0x5  }
.Ltmp9:
0xbc: {  	(pc) =	sbr.rel @p0 .LBB2_7-.Ltmp9, $4  }
0xbd: {  	_ = 	snop  }
0xbe: {  	v13 =	vor.u32 s20, v1  }
0xbf: {  	vm2 =	vge.s32 v13, v9;
	vm3 =	vlt.s32 v13, v10;
	v12 =	vpop (erf)  }
0xc0: {  	vm2 =	vmand vm2, vm3;
	v11 =	vmul.f32 v12, v11  }
.Ltmp10:
0xc1: {  	_ = 	snop;
	(pc) =	sbr.rel .LBB2_8-.Ltmp10, $1  }
0xc2: {  	_ =	sdelay $0x3  }
.LBB2_12:
0xc3: {  	_ =	sfence.sel $0x180000  }
0xc4: {  	[bflag:$0x0] =	sbarrier.arrive $0xFFFF  }
0xc5: {  	_ =	strace $0x9000004A  }
0xc6: {  	s0 =	stileid.u32;
	[bflag:$0x2] =	sbarrier.arrive $0xFFFF  }
0xc7: {  	p0 =	sne.s32 s0, $0x0;
	s0 =	rddreg [dreg:$0x1]  }
0xc8: {  	s0 =	sadd.s32 @!p0 $0x100000, s0  }
0xc9: {  	[sflag:s0] =	ssyncadd.tile.s32 @!p0 $0x1;
	_ =	shalt  }
.Lfunc_end2:
_tile_overlayer_lowered:
.L_overlay_start_2:
0xca: {  	(tag) =	ssettag $0x2  }
0xcb: {  	s0 =	rddreg [dreg:$0x0];
	s2 =	stileid.u32  }
0xcc: {  	s1 =	rddreg [dreg:$0x1];
	p0 =	sne.s32 s2, $0x0  }
0xcd: {  	s3 =	rddreg [dreg:$0x2];
	[bflag:$0x3] =	sbarrier.arrive $0xFFFF;
	s2 =	simm.s32 @!p0 $0x1C02  }
0xce: {  	[timem:s3], [sflag:s2] =	dma.local @!p0 [hbm:s0], s1  }
0xcf: {  	s0 =	simm.s32 @!p0 $0x2  }
0xd0: {  	_ =	swait.ge @!p0 [sflag:s0], s1  }
0xd1: {  	s1 =	ssub.s32 @!p0 $0x0, s1;
	[sflag:s0] =	ssyncset.done @!p0 $0x0  }
0xd2: {  	[sflag:s0] =	ssyncadd.s32 @!p0 s1  }
0xd3: {  	[bflag:$0x3] =	sbarrier.arrive $0xFFFF  }
0xd4: {  	_ =	shalt  }

</sc_bundles>
